<compile_context>
chip_gen: v7x
topology: tpu7x:2x2x1
jax: 0.10.2.dev20260603
libtpu: 0.0.44.dev20260713+nightly
codegen_flags: <defaults>
</compile_context>

<pallas_src>
import functools

import jax
import jax.numpy as jnp
from jax import lax
from jax.experimental import pallas as pl
from jax.experimental.pallas import tpu as pltpu
from jax.experimental.pallas import tpu_sc as plsc

N, E, D, H, C = 10000, 320000, 128, 128, 10
NC, NS = 2, 16
NW = NC * NS
EPW = E // NW
CHUNK = 125
CHUNKS = EPW // CHUNK
NPAD = 10112
ROWS = NPAD // NS
DW = 16
BN = 2000


def _make_segsum(with_deg):
  mesh = plsc.VectorSubcoreMesh(core_axis_name="c", subcore_axis_name="s")
  out_type = [jax.ShapeDtypeStruct((NC, NPAD, H), jnp.bfloat16)]
  scratch = [
      pltpu.VMEM((CHUNKS, CHUNK), jnp.int32),
      pltpu.VMEM((CHUNKS, CHUNK), jnp.int32),
      pltpu.VMEM((CHUNK, H), jnp.bfloat16),
      pltpu.VMEM((CHUNK, H), jnp.bfloat16),
      pltpu.VMEM((CHUNK, H), jnp.bfloat16),
      pltpu.VMEM((CHUNK, H), jnp.bfloat16),
      pltpu.VMEM_SHARED((NPAD, H), jnp.bfloat16),
  ] + [pltpu.SemaphoreType.DMA] * 8
  if with_deg:
    out_type.append(jax.ShapeDtypeStruct((NC, NPAD, DW), jnp.float32))
    scratch.insert(6, pltpu.VMEM((CHUNK, DW), jnp.float32))
    scratch.insert(7, pltpu.VMEM_SHARED((NPAD, DW), jnp.float32))

  @functools.partial(pl.kernel, mesh=mesh, out_type=out_type,
                     scratch_types=scratch,
                     compiler_params=pltpu.CompilerParams(
                         use_tc_tiling_on_sc=False,
                         needs_layout_passes=False))
  def seg(*refs):
    if with_deg:
      (msg_hbm, ei_hbm, zero_hbm, dzero_hbm, out_hbm, deg_hbm,
       src_v, dst_v, b0, b1, b2, b3, ones_v, dacc, acc, *sems) = refs
    else:
      (msg_hbm, ei_hbm, zero_hbm, out_hbm,
       src_v, dst_v, b0, b1, b2, b3, acc, *sems) = refs
    bufs = [b0, b1, b2, b3]
    gsems, ssems = sems[:4], sems[4:]
    c = lax.axis_index("c")
    s = lax.axis_index("s")
    rbase = s * ROWS
    pltpu.sync_copy(ei_hbm.at[0, c, s], src_v)
    pltpu.sync_copy(ei_hbm.at[1, c, s], dst_v)
    pltpu.sync_copy(zero_hbm, acc.at[pl.ds(rbase, ROWS)])
    if with_deg:
      pltpu.sync_copy(dzero_hbm, dacc.at[pl.ds(rbase, ROWS)])
      ones16 = jnp.ones((16,), jnp.float32)
      def obody(j, carry):
        ones_v[j, pl.ds(0, DW)] = ones16
        return carry
      lax.fori_loop(0, CHUNK, obody, 0)

    plsc.subcore_barrier()
    pltpu.async_copy(msg_hbm.at[src_v.at[0]], b0, gsems[0])
    pltpu.async_copy(msg_hbm.at[src_v.at[1]], b1, gsems[1])

    def _wait_scatter(buf, j, ss):
      pltpu.make_async_copy(buf, acc.at[dst_v.at[j]], ss).wait()
      if with_deg:
        pltpu.make_async_copy(ones_v, dacc.at[dst_v.at[j]], ss).wait()

    def body(g, carry):
      for k in range(4):
        j = 4 * g + k
        buf, ss = bufs[k], ssems[k]
        pltpu.make_async_copy(msg_hbm.at[src_v.at[j]], buf, gsems[k]).wait()
        pltpu.async_copy(buf, acc.at[dst_v.at[j]], ss, add=True)
        if with_deg:
          pltpu.async_copy(ones_v, dacc.at[dst_v.at[j]], ss, add=True)
        jn = j + 2
        kn = (k + 2) % 4

        @pl.when(jn < CHUNKS)
        def _prefetch():
          @pl.when(j >= 2)
          def _free():
            _wait_scatter(bufs[kn], j - 2, ssems[kn])
          pltpu.async_copy(msg_hbm.at[src_v.at[jn]], bufs[kn], gsems[kn])
      return carry

    lax.fori_loop(0, CHUNKS // 4, body, 0)
    for k in range(4):
      _wait_scatter(bufs[k], CHUNKS - 4 + k, ssems[k])

    plsc.subcore_barrier()
    pltpu.sync_copy(acc.at[pl.ds(rbase, ROWS)],
                    out_hbm.at[c].at[pl.ds(rbase, ROWS)])
    if with_deg:
      pltpu.sync_copy(dacc.at[pl.ds(rbase, ROWS)],
                      deg_hbm.at[c].at[pl.ds(rbase, ROWS)])

  return seg


_segsum_deg = _make_segsum(True)
_segsum_h = _make_segsum(False)


def _tc_pre_body(x_ref, wn_ref, m_ref):
  mm = jnp.dot(x_ref[...], wn_ref[...], preferred_element_type=jnp.float32)
  m_ref[...] = mm.astype(jnp.bfloat16)


def _tc_mid_body(p_ref, dp_ref, x_ref, w1s_ref, b1_ref, wn_ref, ws_ref, b2_ref,
                 m_ref, s_ref, dinv_ref):
  p = p_ref[...].astype(jnp.float32)
  a = p[0] + p[1]
  dp = dp_ref[...]
  deg = (dp[0] + dp[1])[:, 0:1]
  dinv = 1.0 / jnp.maximum(deg, 1.0)
  s1 = jnp.dot(x_ref[...], w1s_ref[...],
               preferred_element_type=jnp.float32) + b1_ref[...]
  h1 = jnp.maximum(s1 + a * dinv, 0.0)
  m_ref[...] = jnp.dot(h1, wn_ref[...],
                       preferred_element_type=jnp.float32).astype(jnp.bfloat16)
  s_ref[...] = jnp.dot(h1, ws_ref[...], preferred_element_type=jnp.float32) + b2_ref[...]
  dinv_ref[...] = jnp.broadcast_to(dinv, (BN, 8))


def _tc_out_body(p_ref, s2_ref, dinv_ref, wo_ref, bo_ref, out_ref):
  p = p_ref[...].astype(jnp.float32)
  a = p[0] + p[1]
  h2 = jnp.maximum(s2_ref[...] + a * dinv_ref[...][:, 0:1], 0.0)
  logits = jnp.dot(h2, wo_ref[...], preferred_element_type=jnp.float32) + bo_ref[...]
  out_ref[...] = jnp.clip(logits, -4.0, 4.0)


_GRID = (N // BN,)
_FULL = lambda i: (0, 0)
_ROWB = lambda i: (i, 0)

_tc_pre = pl.pallas_call(
    _tc_pre_body,
    grid=_GRID,
    in_specs=[
        pl.BlockSpec((BN, D), _ROWB),
        pl.BlockSpec((D, H), _FULL),
    ],
    out_specs=pl.BlockSpec((BN, H), _ROWB),
    out_shape=jax.ShapeDtypeStruct((N, H), jnp.bfloat16),
)

_tc_mid = pl.pallas_call(
    _tc_mid_body,
    grid=_GRID,
    in_specs=[
        pl.BlockSpec((NC, BN, H), lambda i: (0, i, 0)),
        pl.BlockSpec((NC, BN, DW), lambda i: (0, i, 0)),
        pl.BlockSpec((BN, D), _ROWB),
        pl.BlockSpec((D, H), _FULL),
        pl.BlockSpec((1, H), _FULL),
        pl.BlockSpec((H, H), _FULL),
        pl.BlockSpec((H, H), _FULL),
        pl.BlockSpec((1, H), _FULL),
    ],
    out_specs=[pl.BlockSpec((BN, H), _ROWB), pl.BlockSpec((BN, H), _ROWB),
               pl.BlockSpec((BN, 8), _ROWB)],
    out_shape=[jax.ShapeDtypeStruct((N, H), jnp.bfloat16),
               jax.ShapeDtypeStruct((N, H), jnp.float32),
               jax.ShapeDtypeStruct((N, 8), jnp.float32)],
)

_tc_out = pl.pallas_call(
    _tc_out_body,
    grid=_GRID,
    in_specs=[
        pl.BlockSpec((NC, BN, H), lambda i: (0, i, 0)),
        pl.BlockSpec((BN, H), _ROWB),
        pl.BlockSpec((BN, 8), _ROWB),
        pl.BlockSpec((H, C), _FULL),
        pl.BlockSpec((1, C), _FULL),
    ],
    out_specs=pl.BlockSpec((BN, C), _ROWB),
    out_shape=jax.ShapeDtypeStruct((N, C), jnp.float32),
)


def kernel(x, edge_index, y, W1_self, W1_neigh, b1, W2_self, W2_neigh, b2,
           W_out, b_out):
  ei = edge_index.reshape(2, NC, NS, CHUNKS, CHUNK)
  zeros_h = jnp.zeros((ROWS, H), jnp.bfloat16)
  dzeros = jnp.zeros((ROWS, DW), jnp.float32)

  m1 = _tc_pre(x, W1_neigh)
  parts1, degp = _segsum_deg(m1, ei, zeros_h, dzeros)
  m2, s2, dinv = _tc_mid(parts1, degp, x, W1_self, b1.reshape(1, H),
                         W2_neigh, W2_self, b2.reshape(1, H))
  (parts2,) = _segsum_h(m2, ei, zeros_h)
  logits = _tc_out(parts2, s2, dinv, W_out, b_out.reshape(1, C))
  return (logits, y)

# --- scband reference (transcript-rebuilt; emitter-appended) ---
"""Pipeline reference for scband-base-gnn-45801531245236 (READ-ONLY COPY).

The authoritative reference and input builder live on the scoring server;
editing this copy changes nothing except your own understanding.
"""

import jax, jax.numpy as jnp
import numpy as np

N, E, D, H, C = 10000, 320000, 128, 128, 10

def setup_inputs(seed: int = 0) -> dict:
    key = jax.random.key(seed)
    ks = jax.random.split(key, 12)
    x = jax.random.normal(ks[0], (N, D), dtype=jnp.float32)
    edge_index = jax.random.randint(ks[1], (2, E), 0, N, dtype=jnp.int32)
    y = jax.random.randint(ks[2], (N,), 0, C, dtype=jnp.int32)
    s = 1.0 / np.sqrt(D)
    W1_self = jax.random.normal(ks[3], (D, H), dtype=jnp.float32) * s
    W1_neigh = jax.random.normal(ks[4], (D, H), dtype=jnp.float32) * s
    b1 = jnp.zeros((H,), dtype=jnp.float32)
    W2_self = jax.random.normal(ks[5], (H, H), dtype=jnp.float32) * s
    W2_neigh = jax.random.normal(ks[6], (H, H), dtype=jnp.float32) * s
    b2 = jnp.zeros((H,), dtype=jnp.float32)
    W_out = jax.random.normal(ks[7], (H, C), dtype=jnp.float32) * s
    b_out = jnp.zeros((C,), dtype=jnp.float32)
    return {"x": x, "edge_index": edge_index, "y": y,
            "W1_self": W1_self, "W1_neigh": W1_neigh, "b1": b1,
            "W2_self": W2_self, "W2_neigh": W2_neigh, "b2": b2,
            "W_out": W_out, "b_out": b_out}


def _sage_conv(h, edge_index, W_self, W_neigh, b):
    # GraphSAGE-style conv: mean aggregation of neighbor messages + self transform
    src = edge_index[0]
    dst = edge_index[1]
    msgs = jnp.take(h, src, axis=0)                                   # gather
    agg = jax.ops.segment_sum(msgs, dst, num_segments=N)              # scatter-add
    deg = jax.ops.segment_sum(jnp.ones((edge_index.shape[1],), h.dtype), dst, num_segments=N)
    agg = agg / jnp.clip(deg, 1.0, None)[:, None]                     # mean
    return jax.nn.relu(h @ W_self + agg @ W_neigh + b)


def reference(x, edge_index, y, W1_self, W1_neigh, b1, W2_self, W2_neigh, b2, W_out, b_out):
    h = _sage_conv(x, edge_index, W1_self, W1_neigh, b1)
    h = _sage_conv(h, edge_index, W2_self, W2_neigh, b2)
    logits = jnp.clip(h @ W_out + b_out, -4.0, 4.0)
    return (logits, y)

if __name__ == "__main__":
    import jax
    _d = setup_inputs()
    print(jax.jit(kernel)(*tuple(_d.values())))

</pallas_src>

<mosaic_0001>
#map = affine_map<(d0, d1) -> (0, 0)>
#map1 = affine_map<(d0, d1) -> (0, 0, 0, 0, 0)>
#map2 = affine_map<(d0, d1) -> (0, 0, 0)>
module attributes {stable_mosaic.version = 14 : i64} {
  func.func @seg(%arg0: i32, %arg1: i32, %arg2: memref<10000x128xbf16, #tpu.memory_space<hbm>>, %arg3: memref<2x2x16x80x125xi32, #tpu.memory_space<hbm>>, %arg4: memref<632x128xbf16, #tpu.memory_space<hbm>>, %arg5: memref<632x16xf32, #tpu.memory_space<hbm>>, %arg6: memref<2x10112x128xbf16, #tpu.memory_space<hbm>>, %arg7: memref<2x10112x16xf32, #tpu.memory_space<hbm>>, %arg8: memref<80x125xi32, #tpu.memory_space<vmem>>, %arg9: memref<80x125xi32, #tpu.memory_space<vmem>>, %arg10: memref<125x128xbf16, #tpu.memory_space<vmem>>, %arg11: memref<125x128xbf16, #tpu.memory_space<vmem>>, %arg12: memref<125x128xbf16, #tpu.memory_space<vmem>>, %arg13: memref<125x128xbf16, #tpu.memory_space<vmem>>, %arg14: memref<125x16xf32, #tpu.memory_space<vmem>>, %arg15: memref<10112x16xf32, #tpu.memory_space<vmem_shared>>, %arg16: memref<10112x128xbf16, #tpu.memory_space<vmem_shared>>, %arg17: memref<!tpu.dma_semaphore, #tpu.memory_space<semaphore_mem>>, %arg18: memref<!tpu.dma_semaphore, #tpu.memory_space<semaphore_mem>>, %arg19: memref<!tpu.dma_semaphore, #tpu.memory_space<semaphore_mem>>, %arg20: memref<!tpu.dma_semaphore, #tpu.memory_space<semaphore_mem>>, %arg21: memref<!tpu.dma_semaphore, #tpu.memory_space<semaphore_mem>>, %arg22: memref<!tpu.dma_semaphore, #tpu.memory_space<semaphore_mem>>, %arg23: memref<!tpu.dma_semaphore, #tpu.memory_space<semaphore_mem>>, %arg24: memref<!tpu.dma_semaphore, #tpu.memory_space<semaphore_mem>>) attributes {dimension_semantics = [#tpu.dimension_semantics<core_parallel>, #tpu.dimension_semantics<subcore_parallel>], iteration_bounds = array<i64: 2, 16>, scalar_prefetch = 0 : i64, scratch_operands = 17 : i64, tpu.core_type = #tpu.core_type<sc_vector_subcore>, window_params = [{transform_indices = #map}, {transform_indices = #map1}, {transform_indices = #map}, {transform_indices = #map}, {transform_indices = #map2}, {transform_indices = #map2}]} {
    %mul3A = arith.constant 632 : i32
    %mul3A_0 = arith.muli %arg1, %mul3A : i32
    %run_scoped3A = arith.constant 0 : i32
    "tpu.region"() ({
      %run_scoped3A_83 = tpu.sem_alloc : memref<!tpu.dma_semaphore, #tpu.memory_space<semaphore_mem>>
      %dma_start3A_84 = arith.constant 0 : i32
      %dma_start3A_85 = arith.constant 0 : i32
      %dma_start3A_86 = tpu.memref_slice %arg3[%run_scoped3A, %arg0, %arg1, %dma_start3A_84, %dma_start3A_85] : memref<2x2x16x80x125xi32, #tpu.memory_space<hbm>> -> memref<1x1x1x80x125xi32, #tpu.memory_space<hbm>>
      %dma_start3A_87 = tpu.memref_squeeze %dma_start3A_86 : memref<1x1x1x80x125xi32, #tpu.memory_space<hbm>> -> memref<80x125xi32, #tpu.memory_space<hbm>>
      %dma_start3A_88 = arith.constant 0 : i32
      %dma_start3A_89 = arith.constant 0 : i32
      %dma_start3A_90 = tpu.memref_slice %arg3[%run_scoped3A, %arg0, %arg1, %dma_start3A_88, %dma_start3A_89] : memref<2x2x16x80x125xi32, #tpu.memory_space<hbm>> -> memref<1x1x1x80x125xi32, #tpu.memory_space<hbm>>
      %dma_start3A_91 = tpu.memref_squeeze %dma_start3A_90 : memref<1x1x1x80x125xi32, #tpu.memory_space<hbm>> -> memref<80x125xi32, #tpu.memory_space<hbm>>
      tpu.enqueue_dma source(%dma_start3A_91 : memref<80x125xi32, #tpu.memory_space<hbm>>) target(%arg8 : memref<80x125xi32, #tpu.memory_space<vmem>>) target_semaphore(%run_scoped3A_83 : memref<!tpu.dma_semaphore, #tpu.memory_space<semaphore_mem>>)
      %dma_wait3A_92 = arith.constant 0 : i32
      %dma_wait3A_93 = arith.constant 0 : i32
      %dma_wait3A_94 = tpu.memref_slice %arg3[%run_scoped3A, %arg0, %arg1, %dma_wait3A_92, %dma_wait3A_93] : memref<2x2x16x80x125xi32, #tpu.memory_space<hbm>> -> memref<1x1x1x80x125xi32, #tpu.memory_space<hbm>>
      %dma_wait3A_95 = tpu.memref_squeeze %dma_wait3A_94 : memref<1x1x1x80x125xi32, #tpu.memory_space<hbm>> -> memref<80x125xi32, #tpu.memory_space<hbm>>
      %dma_wait3A_96 = arith.constant 0 : i32
      %dma_wait3A_97 = arith.constant 0 : i32
      %dma_wait3A_98 = tpu.memref_slice %arg3[%run_scoped3A, %arg0, %arg1, %dma_wait3A_96, %dma_wait3A_97] : memref<2x2x16x80x125xi32, #tpu.memory_space<hbm>> -> memref<1x1x1x80x125xi32, #tpu.memory_space<hbm>>
      %dma_wait3A_99 = tpu.memref_squeeze %dma_wait3A_98 : memref<1x1x1x80x125xi32, #tpu.memory_space<hbm>> -> memref<80x125xi32, #tpu.memory_space<hbm>>
      tpu.wait_dma2 semaphore(%run_scoped3A_83 : memref<!tpu.dma_semaphore, #tpu.memory_space<semaphore_mem>>) src(%dma_wait3A_99 : memref<80x125xi32, #tpu.memory_space<hbm>>) dst(%arg8 : memref<80x125xi32, #tpu.memory_space<vmem>>)
      tpu.yield
    }) : () -> ()
    %run_scoped3A_1 = arith.constant 1 : i32
    "tpu.region"() ({
      %run_scoped3A_83 = tpu.sem_alloc : memref<!tpu.dma_semaphore, #tpu.memory_space<semaphore_mem>>
      %dma_start3A_84 = arith.constant 0 : i32
      %dma_start3A_85 = arith.constant 0 : i32
      %dma_start3A_86 = tpu.memref_slice %arg3[%run_scoped3A_1, %arg0, %arg1, %dma_start3A_84, %dma_start3A_85] : memref<2x2x16x80x125xi32, #tpu.memory_space<hbm>> -> memref<1x1x1x80x125xi32, #tpu.memory_space<hbm>>
      %dma_start3A_87 = tpu.memref_squeeze %dma_start3A_86 : memref<1x1x1x80x125xi32, #tpu.memory_space<hbm>> -> memref<80x125xi32, #tpu.memory_space<hbm>>
      %dma_start3A_88 = arith.constant 0 : i32
      %dma_start3A_89 = arith.constant 0 : i32
      %dma_start3A_90 = tpu.memref_slice %arg3[%run_scoped3A_1, %arg0, %arg1, %dma_start3A_88, %dma_start3A_89] : memref<2x2x16x80x125xi32, #tpu.memory_space<hbm>> -> memref<1x1x1x80x125xi32, #tpu.memory_space<hbm>>
      %dma_start3A_91 = tpu.memref_squeeze %dma_start3A_90 : memref<1x1x1x80x125xi32, #tpu.memory_space<hbm>> -> memref<80x125xi32, #tpu.memory_space<hbm>>
      tpu.enqueue_dma source(%dma_start3A_91 : memref<80x125xi32, #tpu.memory_space<hbm>>) target(%arg9 : memref<80x125xi32, #tpu.memory_space<vmem>>) target_semaphore(%run_scoped3A_83 : memref<!tpu.dma_semaphore, #tpu.memory_space<semaphore_mem>>)
      %dma_wait3A_92 = arith.constant 0 : i32
      %dma_wait3A_93 = arith.constant 0 : i32
      %dma_wait3A_94 = tpu.memref_slice %arg3[%run_scoped3A_1, %arg0, %arg1, %dma_wait3A_92, %dma_wait3A_93] : memref<2x2x16x80x125xi32, #tpu.memory_space<hbm>> -> memref<1x1x1x80x125xi32, #tpu.memory_space<hbm>>
      %dma_wait3A_95 = tpu.memref_squeeze %dma_wait3A_94 : memref<1x1x1x80x125xi32, #tpu.memory_space<hbm>> -> memref<80x125xi32, #tpu.memory_space<hbm>>
      %dma_wait3A_96 = arith.constant 0 : i32
      %dma_wait3A_97 = arith.constant 0 : i32
      %dma_wait3A_98 = tpu.memref_slice %arg3[%run_scoped3A_1, %arg0, %arg1, %dma_wait3A_96, %dma_wait3A_97] : memref<2x2x16x80x125xi32, #tpu.memory_space<hbm>> -> memref<1x1x1x80x125xi32, #tpu.memory_space<hbm>>
      %dma_wait3A_99 = tpu.memref_squeeze %dma_wait3A_98 : memref<1x1x1x80x125xi32, #tpu.memory_space<hbm>> -> memref<80x125xi32, #tpu.memory_space<hbm>>
      tpu.wait_dma2 semaphore(%run_scoped3A_83 : memref<!tpu.dma_semaphore, #tpu.memory_space<semaphore_mem>>) src(%dma_wait3A_99 : memref<80x125xi32, #tpu.memory_space<hbm>>) dst(%arg9 : memref<80x125xi32, #tpu.memory_space<vmem>>)
      tpu.yield
    }) : () -> ()
    "tpu.region"() ({
      %run_scoped3A_83 = tpu.sem_alloc : memref<!tpu.dma_semaphore, #tpu.memory_space<semaphore_mem>>
      %dma_start3A_84 = arith.constant 0 : i32
      %dma_start3A_85 = tpu.memref_slice %arg16[%mul3A_0, %dma_start3A_84] : memref<10112x128xbf16, #tpu.memory_space<vmem_shared>> -> memref<632x128xbf16, #tpu.memory_space<vmem_shared>>
      tpu.enqueue_dma source(%arg4 : memref<632x128xbf16, #tpu.memory_space<hbm>>) target(%dma_start3A_85 : memref<632x128xbf16, #tpu.memory_space<vmem_shared>>) target_semaphore(%run_scoped3A_83 : memref<!tpu.dma_semaphore, #tpu.memory_space<semaphore_mem>>)
      %dma_wait3A_86 = arith.constant 0 : i32
      %dma_wait3A_87 = tpu.memref_slice %arg16[%mul3A_0, %dma_wait3A_86] : memref<10112x128xbf16, #tpu.memory_space<vmem_shared>> -> memref<632x128xbf16, #tpu.memory_space<vmem_shared>>
      tpu.wait_dma2 semaphore(%run_scoped3A_83 : memref<!tpu.dma_semaphore, #tpu.memory_space<semaphore_mem>>) src(%arg4 : memref<632x128xbf16, #tpu.memory_space<hbm>>) dst(%dma_wait3A_87 : memref<632x128xbf16, #tpu.memory_space<vmem_shared>>)
      tpu.yield
    }) : () -> ()
    "tpu.region"() ({
      %run_scoped3A_83 = tpu.sem_alloc : memref<!tpu.dma_semaphore, #tpu.memory_space<semaphore_mem>>
      %dma_start3A_84 = arith.constant 0 : i32
      %dma_start3A_85 = tpu.memref_slice %arg15[%mul3A_0, %dma_start3A_84] : memref<10112x16xf32, #tpu.memory_space<vmem_shared>> -> memref<632x16xf32, #tpu.memory_space<vmem_shared>>
      tpu.enqueue_dma source(%arg5 : memref<632x16xf32, #tpu.memory_space<hbm>>) target(%dma_start3A_85 : memref<632x16xf32, #tpu.memory_space<vmem_shared>>) target_semaphore(%run_scoped3A_83 : memref<!tpu.dma_semaphore, #tpu.memory_space<semaphore_mem>>)
      %dma_wait3A_86 = arith.constant 0 : i32
      %dma_wait3A_87 = tpu.memref_slice %arg15[%mul3A_0, %dma_wait3A_86] : memref<10112x16xf32, #tpu.memory_space<vmem_shared>> -> memref<632x16xf32, #tpu.memory_space<vmem_shared>>
      tpu.wait_dma2 semaphore(%run_scoped3A_83 : memref<!tpu.dma_semaphore, #tpu.memory_space<semaphore_mem>>) src(%arg5 : memref<632x16xf32, #tpu.memory_space<hbm>>) dst(%dma_wait3A_87 : memref<632x16xf32, #tpu.memory_space<vmem_shared>>)
      tpu.yield
    }) : () -> ()
    %broadcast_in_dim3A = arith.constant 1.000000e+00 : f32
    %broadcast_in_dim3A_2 = vector.broadcast %broadcast_in_dim3A : f32 to vector<16xf32>
    %scan3A = arith.constant 0 : i32
    %scan3A_3 = arith.constant 0 : i32
    %scan3A_4 = arith.constant 125 : i32
    %scan3A_5 = arith.addi %scan3A_3, %scan3A_4 : i32
    %scan3A_6 = arith.constant 1 : i32
    scf.for %scan3A_83 = %scan3A_3 to %scan3A_5 step %scan3A_6  : i32 {
      %swap3A = arith.index_cast %scan3A_83 : i32 to index
      %swap3A_84 = arith.constant 0 : index
      %swap3A_85 = tpu.vector_load %arg14[%swap3A, %swap3A_84] {strides = array<i32>} : memref<125x16xf32, #tpu.memory_space<vmem>>, vector<16xf32>,
      tpu.vector_store %arg14[%swap3A, %swap3A_84], %broadcast_in_dim3A_2 {strides = array<i32>} : memref<125x16xf32, #tpu.memory_space<vmem>>, vector<16xf32>,
    }
    %scan3A_7 = arith.constant 125 : i32
    %barrier3A = arith.constant 0 : index
    tpu.barrier barrier_id(%barrier3A)
    %dma_start3A = arith.constant 0 : i32
    %dma_start3A_8 = arith.constant 0 : i32
    %dma_start3A_9 = tpu.memref_slice %arg8[%dma_start3A, %dma_start3A_8] : memref<80x125xi32, #tpu.memory_space<vmem>> -> memref<1x125xi32, #tpu.memory_space<vmem>>
    %dma_start3A_10 = tpu.memref_squeeze %dma_start3A_9 : memref<1x125xi32, #tpu.memory_space<vmem>> -> memref<125xi32, #tpu.memory_space<vmem>>
    %dma_start3A_11 = arith.constant 0 : i32
    %dma_start3A_12 = arith.constant 0 : i32
    %dma_start3A_13 = tpu.memref_slice %arg2[%dma_start3A_11, %dma_start3A_12] : memref<10000x128xbf16, #tpu.memory_space<hbm>> -> memref<10000x128xbf16, #tpu.memory_space<hbm>>
    tpu.enqueue_indirect_dma source(%dma_start3A_13 : memref<10000x128xbf16, #tpu.memory_space<hbm>>) target(%arg10 : memref<125x128xbf16, #tpu.memory_space<vmem>>) offsets(%dma_start3A_10 : memref<125xi32, #tpu.memory_space<vmem>>) semaphore(%arg17 : memref<!tpu.dma_semaphore, #tpu.memory_space<semaphore_mem>>)
    %dma_start3A_14 = arith.constant 1 : i32
    %dma_start3A_15 = arith.constant 0 : i32
    %dma_start3A_16 = tpu.memref_slice %arg8[%dma_start3A_14, %dma_start3A_15] : memref<80x125xi32, #tpu.memory_space<vmem>> -> memref<1x125xi32, #tpu.memory_space<vmem>>
    %dma_start3A_17 = tpu.memref_squeeze %dma_start3A_16 : memref<1x125xi32, #tpu.memory_space<vmem>> -> memref<125xi32, #tpu.memory_space<vmem>>
    %dma_start3A_18 = arith.constant 0 : i32
    %dma_start3A_19 = arith.constant 0 : i32
    %dma_start3A_20 = tpu.memref_slice %arg2[%dma_start3A_18, %dma_start3A_19] : memref<10000x128xbf16, #tpu.memory_space<hbm>> -> memref<10000x128xbf16, #tpu.memory_space<hbm>>
    tpu.enqueue_indirect_dma source(%dma_start3A_20 : memref<10000x128xbf16, #tpu.memory_space<hbm>>) target(%arg11 : memref<125x128xbf16, #tpu.memory_space<vmem>>) offsets(%dma_start3A_17 : memref<125xi32, #tpu.memory_space<vmem>>) semaphore(%arg18 : memref<!tpu.dma_semaphore, #tpu.memory_space<semaphore_mem>>)
    %scan3A_21 = arith.constant 0 : i32
    %scan3A_22 = arith.constant 0 : i32
    %scan3A_23 = arith.constant 20 : i32
    %scan3A_24 = arith.addi %scan3A_22, %scan3A_23 : i32
    %scan3A_25 = arith.constant 1 : i32
    scf.for %scan3A_83 = %scan3A_22 to %scan3A_24 step %scan3A_25  : i32 {
      %mul3A_84 = arith.constant 4 : i32
      %mul3A_85 = arith.muli %mul3A_84, %scan3A_83 : i32
      %add3A = arith.constant 0 : i32
      %add3A_86 = arith.addi %mul3A_85, %add3A : i32
      %dma_wait3A_87 = arith.constant 0 : i32
      %dma_wait3A_88 = tpu.memref_slice %arg8[%add3A_86, %dma_wait3A_87] : memref<80x125xi32, #tpu.memory_space<vmem>> -> memref<1x125xi32, #tpu.memory_space<vmem>>
      %dma_wait3A_89 = tpu.memref_squeeze %dma_wait3A_88 : memref<1x125xi32, #tpu.memory_space<vmem>> -> memref<125xi32, #tpu.memory_space<vmem>>
      %dma_wait3A_90 = arith.constant 0 : i32
      %dma_wait3A_91 = arith.constant 0 : i32
      %dma_wait3A_92 = tpu.memref_slice %arg2[%dma_wait3A_90, %dma_wait3A_91] : memref<10000x128xbf16, #tpu.memory_space<hbm>> -> memref<10000x128xbf16, #tpu.memory_space<hbm>>
      tpu.wait_indirect_dma semaphore(%arg17 : memref<!tpu.dma_semaphore, #tpu.memory_space<semaphore_mem>>) src(%dma_wait3A_92 : memref<10000x128xbf16, #tpu.memory_space<hbm>>) dst(%arg10 : memref<125x128xbf16, #tpu.memory_space<vmem>>)
      %dma_start3A_93 = arith.constant 0 : i32
      %dma_start3A_94 = tpu.memref_slice %arg9[%add3A_86, %dma_start3A_93] : memref<80x125xi32, #tpu.memory_space<vmem>> -> memref<1x125xi32, #tpu.memory_space<vmem>>
      %dma_start3A_95 = tpu.memref_squeeze %dma_start3A_94 : memref<1x125xi32, #tpu.memory_space<vmem>> -> memref<125xi32, #tpu.memory_space<vmem>>
      %dma_start3A_96 = arith.constant 0 : i32
      %dma_start3A_97 = arith.constant 0 : i32
      %dma_start3A_98 = tpu.memref_slice %arg16[%dma_start3A_96, %dma_start3A_97] : memref<10112x128xbf16, #tpu.memory_space<vmem_shared>> -> memref<10112x128xbf16, #tpu.memory_space<vmem_shared>>
      tpu.enqueue_indirect_dma source(%arg10 : memref<125x128xbf16, #tpu.memory_space<vmem>>) target(%dma_start3A_98 : memref<10112x128xbf16, #tpu.memory_space<vmem_shared>>) offsets(%dma_start3A_95 : memref<125xi32, #tpu.memory_space<vmem>>) semaphore(%arg21 : memref<!tpu.dma_semaphore, #tpu.memory_space<semaphore_mem>>) {add = true}
      %dma_start3A_99 = arith.constant 0 : i32
      %dma_start3A_100 = tpu.memref_slice %arg9[%add3A_86, %dma_start3A_99] : memref<80x125xi32, #tpu.memory_space<vmem>> -> memref<1x125xi32, #tpu.memory_space<vmem>>
      %dma_start3A_101 = tpu.memref_squeeze %dma_start3A_100 : memref<1x125xi32, #tpu.memory_space<vmem>> -> memref<125xi32, #tpu.memory_space<vmem>>
      %dma_start3A_102 = arith.constant 0 : i32
      %dma_start3A_103 = arith.constant 0 : i32
      %dma_start3A_104 = tpu.memref_slice %arg15[%dma_start3A_102, %dma_start3A_103] : memref<10112x16xf32, #tpu.memory_space<vmem_shared>> -> memref<10112x16xf32, #tpu.memory_space<vmem_shared>>
      tpu.enqueue_indirect_dma source(%arg14 : memref<125x16xf32, #tpu.memory_space<vmem>>) target(%dma_start3A_104 : memref<10112x16xf32, #tpu.memory_space<vmem_shared>>) offsets(%dma_start3A_101 : memref<125xi32, #tpu.memory_space<vmem>>) semaphore(%arg21 : memref<!tpu.dma_semaphore, #tpu.memory_space<semaphore_mem>>) {add = true}
      %add3A_105 = arith.constant 2 : i32
      %add3A_106 = arith.addi %add3A_86, %add3A_105 : i32
      %lt3A = arith.constant 80 : i32
      %lt3A_107 = arith.cmpi slt, %add3A_106, %lt3A : i32
      %convert_element_type3A = arith.extui %lt3A_107 : i1 to i32
      %cond3A = arith.constant 0 : i32
      %cond3A_108 = arith.cmpi ne, %convert_element_type3A, %cond3A : i32
      scf.if %cond3A_108 {
        %ge3A = arith.constant 2 : i32
        %ge3A_196 = arith.cmpi sge, %add3A_86, %ge3A : i32
        %convert_element_type3A_197 = arith.extui %ge3A_196 : i1 to i32
        %cond3A_198 = arith.constant 0 : i32
        %cond3A_199 = arith.cmpi ne, %convert_element_type3A_197, %cond3A_198 : i32
        scf.if %cond3A_199 {
          %sub3A = arith.constant 2 : i32
          %sub3A_206 = arith.subi %add3A_86, %sub3A : i32
          %dma_wait3A_207 = arith.constant 0 : i32
          %dma_wait3A_208 = tpu.memref_slice %arg9[%sub3A_206, %dma_wait3A_207] : memref<80x125xi32, #tpu.memory_space<vmem>> -> memref<1x125xi32, #tpu.memory_space<vmem>>
          %dma_wait3A_209 = tpu.memref_squeeze %dma_wait3A_208 : memref<1x125xi32, #tpu.memory_space<vmem>> -> memref<125xi32, #tpu.memory_space<vmem>>
          %dma_wait3A_210 = arith.constant 0 : i32
          %dma_wait3A_211 = arith.constant 0 : i32
          %dma_wait3A_212 = tpu.memref_slice %arg16[%dma_wait3A_210, %dma_wait3A_211] : memref<10112x128xbf16, #tpu.memory_space<vmem_shared>> -> memref<10112x128xbf16, #tpu.memory_space<vmem_shared>>
          tpu.wait_indirect_dma semaphore(%arg23 : memref<!tpu.dma_semaphore, #tpu.memory_space<semaphore_mem>>) src(%arg12 : memref<125x128xbf16, #tpu.memory_space<vmem>>) dst(%dma_wait3A_212 : memref<10112x128xbf16, #tpu.memory_space<vmem_shared>>)
          %dma_wait3A_213 = arith.constant 0 : i32
          %dma_wait3A_214 = tpu.memref_slice %arg9[%sub3A_206, %dma_wait3A_213] : memref<80x125xi32, #tpu.memory_space<vmem>> -> memref<1x125xi32, #tpu.memory_space<vmem>>
          %dma_wait3A_215 = tpu.memref_squeeze %dma_wait3A_214 : memref<1x125xi32, #tpu.memory_space<vmem>> -> memref<125xi32, #tpu.memory_space<vmem>>
          %dma_wait3A_216 = arith.constant 0 : i32
          %dma_wait3A_217 = arith.constant 0 : i32
          %dma_wait3A_218 = tpu.memref_slice %arg15[%dma_wait3A_216, %dma_wait3A_217] : memref<10112x16xf32, #tpu.memory_space<vmem_shared>> -> memref<10112x16xf32, #tpu.memory_space<vmem_shared>>
          tpu.wait_indirect_dma semaphore(%arg23 : memref<!tpu.dma_semaphore, #tpu.memory_space<semaphore_mem>>) src(%arg14 : memref<125x16xf32, #tpu.memory_space<vmem>>) dst(%dma_wait3A_218 : memref<10112x16xf32, #tpu.memory_space<vmem_shared>>)
        } else {
        }
        %dma_start3A_200 = arith.constant 0 : i32
        %dma_start3A_201 = tpu.memref_slice %arg8[%add3A_106, %dma_start3A_200] : memref<80x125xi32, #tpu.memory_space<vmem>> -> memref<1x125xi32, #tpu.memory_space<vmem>>
        %dma_start3A_202 = tpu.memref_squeeze %dma_start3A_201 : memref<1x125xi32, #tpu.memory_space<vmem>> -> memref<125xi32, #tpu.memory_space<vmem>>
        %dma_start3A_203 = arith.constant 0 : i32
        %dma_start3A_204 = arith.constant 0 : i32
        %dma_start3A_205 = tpu.memref_slice %arg2[%dma_start3A_203, %dma_start3A_204] : memref<10000x128xbf16, #tpu.memory_space<hbm>> -> memref<10000x128xbf16, #tpu.memory_space<hbm>>
        tpu.enqueue_indirect_dma source(%dma_start3A_205 : memref<10000x128xbf16, #tpu.memory_space<hbm>>) target(%arg12 : memref<125x128xbf16, #tpu.memory_space<vmem>>) offsets(%dma_start3A_202 : memref<125xi32, #tpu.memory_space<vmem>>) semaphore(%arg19 : memref<!tpu.dma_semaphore, #tpu.memory_space<semaphore_mem>>)
      } else {
      }
      %mul3A_109 = arith.constant 4 : i32
      %mul3A_110 = arith.muli %mul3A_109, %scan3A_83 : i32
      %add3A_111 = arith.constant 1 : i32
      %add3A_112 = arith.addi %mul3A_110, %add3A_111 : i32
      %dma_wait3A_113 = arith.constant 0 : i32
      %dma_wait3A_114 = tpu.memref_slice %arg8[%add3A_112, %dma_wait3A_113] : memref<80x125xi32, #tpu.memory_space<vmem>> -> memref<1x125xi32, #tpu.memory_space<vmem>>
      %dma_wait3A_115 = tpu.memref_squeeze %dma_wait3A_114 : memref<1x125xi32, #tpu.memory_space<vmem>> -> memref<125xi32, #tpu.memory_space<vmem>>
      %dma_wait3A_116 = arith.constant 0 : i32
      %dma_wait3A_117 = arith.constant 0 : i32
      %dma_wait3A_118 = tpu.memref_slice %arg2[%dma_wait3A_116, %dma_wait3A_117] : memref<10000x128xbf16, #tpu.memory_space<hbm>> -> memref<10000x128xbf16, #tpu.memory_space<hbm>>
      tpu.wait_indirect_dma semaphore(%arg18 : memref<!tpu.dma_semaphore, #tpu.memory_space<semaphore_mem>>) src(%dma_wait3A_118 : memref<10000x128xbf16, #tpu.memory_space<hbm>>) dst(%arg11 : memref<125x128xbf16, #tpu.memory_space<vmem>>)
      %dma_start3A_119 = arith.constant 0 : i32
      %dma_start3A_120 = tpu.memref_slice %arg9[%add3A_112, %dma_start3A_119] : memref<80x125xi32, #tpu.memory_space<vmem>> -> memref<1x125xi32, #tpu.memory_space<vmem>>
      %dma_start3A_121 = tpu.memref_squeeze %dma_start3A_120 : memref<1x125xi32, #tpu.memory_space<vmem>> -> memref<125xi32, #tpu.memory_space<vmem>>
      %dma_start3A_122 = arith.constant 0 : i32
      %dma_start3A_123 = arith.constant 0 : i32
      %dma_start3A_124 = tpu.memref_slice %arg16[%dma_start3A_122, %dma_start3A_123] : memref<10112x128xbf16, #tpu.memory_space<vmem_shared>> -> memref<10112x128xbf16, #tpu.memory_space<vmem_shared>>
      tpu.enqueue_indirect_dma source(%arg11 : memref<125x128xbf16, #tpu.memory_space<vmem>>) target(%dma_start3A_124 : memref<10112x128xbf16, #tpu.memory_space<vmem_shared>>) offsets(%dma_start3A_121 : memref<125xi32, #tpu.memory_space<vmem>>) semaphore(%arg22 : memref<!tpu.dma_semaphore, #tpu.memory_space<semaphore_mem>>) {add = true}
      %dma_start3A_125 = arith.constant 0 : i32
      %dma_start3A_126 = tpu.memref_slice %arg9[%add3A_112, %dma_start3A_125] : memref<80x125xi32, #tpu.memory_space<vmem>> -> memref<1x125xi32, #tpu.memory_space<vmem>>
      %dma_start3A_127 = tpu.memref_squeeze %dma_start3A_126 : memref<1x125xi32, #tpu.memory_space<vmem>> -> memref<125xi32, #tpu.memory_space<vmem>>
      %dma_start3A_128 = arith.constant 0 : i32
      %dma_start3A_129 = arith.constant 0 : i32
      %dma_start3A_130 = tpu.memref_slice %arg15[%dma_start3A_128, %dma_start3A_129] : memref<10112x16xf32, #tpu.memory_space<vmem_shared>> -> memref<10112x16xf32, #tpu.memory_space<vmem_shared>>
      tpu.enqueue_indirect_dma source(%arg14 : memref<125x16xf32, #tpu.memory_space<vmem>>) target(%dma_start3A_130 : memref<10112x16xf32, #tpu.memory_space<vmem_shared>>) offsets(%dma_start3A_127 : memref<125xi32, #tpu.memory_space<vmem>>) semaphore(%arg22 : memref<!tpu.dma_semaphore, #tpu.memory_space<semaphore_mem>>) {add = true}
      %add3A_131 = arith.constant 2 : i32
      %add3A_132 = arith.addi %add3A_112, %add3A_131 : i32
      %lt3A_133 = arith.constant 80 : i32
      %lt3A_134 = arith.cmpi slt, %add3A_132, %lt3A_133 : i32
      %convert_element_type3A_135 = arith.extui %lt3A_134 : i1 to i32
      %cond3A_136 = arith.constant 0 : i32
      %cond3A_137 = arith.cmpi ne, %convert_element_type3A_135, %cond3A_136 : i32
      scf.if %cond3A_137 {
        %ge3A = arith.constant 2 : i32
        %ge3A_196 = arith.cmpi sge, %add3A_112, %ge3A : i32
        %convert_element_type3A_197 = arith.extui %ge3A_196 : i1 to i32
        %cond3A_198 = arith.constant 0 : i32
        %cond3A_199 = arith.cmpi ne, %convert_element_type3A_197, %cond3A_198 : i32
        scf.if %cond3A_199 {
          %sub3A = arith.constant 2 : i32
          %sub3A_206 = arith.subi %add3A_112, %sub3A : i32
          %dma_wait3A_207 = arith.constant 0 : i32
          %dma_wait3A_208 = tpu.memref_slice %arg9[%sub3A_206, %dma_wait3A_207] : memref<80x125xi32, #tpu.memory_space<vmem>> -> memref<1x125xi32, #tpu.memory_space<vmem>>
          %dma_wait3A_209 = tpu.memref_squeeze %dma_wait3A_208 : memref<1x125xi32, #tpu.memory_space<vmem>> -> memref<125xi32, #tpu.memory_space<vmem>>
          %dma_wait3A_210 = arith.constant 0 : i32
          %dma_wait3A_211 = arith.constant 0 : i32
          %dma_wait3A_212 = tpu.memref_slice %arg16[%dma_wait3A_210, %dma_wait3A_211] : memref<10112x128xbf16, #tpu.memory_space<vmem_shared>> -> memref<10112x128xbf16, #tpu.memory_space<vmem_shared>>
          tpu.wait_indirect_dma semaphore(%arg24 : memref<!tpu.dma_semaphore, #tpu.memory_space<semaphore_mem>>) src(%arg13 : memref<125x128xbf16, #tpu.memory_space<vmem>>) dst(%dma_wait3A_212 : memref<10112x128xbf16, #tpu.memory_space<vmem_shared>>)
          %dma_wait3A_213 = arith.constant 0 : i32
          %dma_wait3A_214 = tpu.memref_slice %arg9[%sub3A_206, %dma_wait3A_213] : memref<80x125xi32, #tpu.memory_space<vmem>> -> memref<1x125xi32, #tpu.memory_space<vmem>>
          %dma_wait3A_215 = tpu.memref_squeeze %dma_wait3A_214 : memref<1x125xi32, #tpu.memory_space<vmem>> -> memref<125xi32, #tpu.memory_space<vmem>>
          %dma_wait3A_216 = arith.constant 0 : i32
          %dma_wait3A_217 = arith.constant 0 : i32
          %dma_wait3A_218 = tpu.memref_slice %arg15[%dma_wait3A_216, %dma_wait3A_217] : memref<10112x16xf32, #tpu.memory_space<vmem_shared>> -> memref<10112x16xf32, #tpu.memory_space<vmem_shared>>
          tpu.wait_indirect_dma semaphore(%arg24 : memref<!tpu.dma_semaphore, #tpu.memory_space<semaphore_mem>>) src(%arg14 : memref<125x16xf32, #tpu.memory_space<vmem>>) dst(%dma_wait3A_218 : memref<10112x16xf32, #tpu.memory_space<vmem_shared>>)
        } else {
        }
        %dma_start3A_200 = arith.constant 0 : i32
        %dma_start3A_201 = tpu.memref_slice %arg8[%add3A_132, %dma_start3A_200] : memref<80x125xi32, #tpu.memory_space<vmem>> -> memref<1x125xi32, #tpu.memory_space<vmem>>
        %dma_start3A_202 = tpu.memref_squeeze %dma_start3A_201 : memref<1x125xi32, #tpu.memory_space<vmem>> -> memref<125xi32, #tpu.memory_space<vmem>>
        %dma_start3A_203 = arith.constant 0 : i32
        %dma_start3A_204 = arith.constant 0 : i32
        %dma_start3A_205 = tpu.memref_slice %arg2[%dma_start3A_203, %dma_start3A_204] : memref<10000x128xbf16, #tpu.memory_space<hbm>> -> memref<10000x128xbf16, #tpu.memory_space<hbm>>
        tpu.enqueue_indirect_dma source(%dma_start3A_205 : memref<10000x128xbf16, #tpu.memory_space<hbm>>) target(%arg13 : memref<125x128xbf16, #tpu.memory_space<vmem>>) offsets(%dma_start3A_202 : memref<125xi32, #tpu.memory_space<vmem>>) semaphore(%arg20 : memref<!tpu.dma_semaphore, #tpu.memory_space<semaphore_mem>>)
      } else {
      }
      %mul3A_138 = arith.constant 4 : i32
      %mul3A_139 = arith.muli %mul3A_138, %scan3A_83 : i32
      %add3A_140 = arith.constant 2 : i32
      %add3A_141 = arith.addi %mul3A_139, %add3A_140 : i32
      %dma_wait3A_142 = arith.constant 0 : i32
      %dma_wait3A_143 = tpu.memref_slice %arg8[%add3A_141, %dma_wait3A_142] : memref<80x125xi32, #tpu.memory_space<vmem>> -> memref<1x125xi32, #tpu.memory_space<vmem>>
      %dma_wait3A_144 = tpu.memref_squeeze %dma_wait3A_143 : memref<1x125xi32, #tpu.memory_space<vmem>> -> memref<125xi32, #tpu.memory_space<vmem>>
      %dma_wait3A_145 = arith.constant 0 : i32
      %dma_wait3A_146 = arith.constant 0 : i32
      %dma_wait3A_147 = tpu.memref_slice %arg2[%dma_wait3A_145, %dma_wait3A_146] : memref<10000x128xbf16, #tpu.memory_space<hbm>> -> memref<10000x128xbf16, #tpu.memory_space<hbm>>
      tpu.wait_indirect_dma semaphore(%arg19 : memref<!tpu.dma_semaphore, #tpu.memory_space<semaphore_mem>>) src(%dma_wait3A_147 : memref<10000x128xbf16, #tpu.memory_space<hbm>>) dst(%arg12 : memref<125x128xbf16, #tpu.memory_space<vmem>>)
      %dma_start3A_148 = arith.constant 0 : i32
      %dma_start3A_149 = tpu.memref_slice %arg9[%add3A_141, %dma_start3A_148] : memref<80x125xi32, #tpu.memory_space<vmem>> -> memref<1x125xi32, #tpu.memory_space<vmem>>
      %dma_start3A_150 = tpu.memref_squeeze %dma_start3A_149 : memref<1x125xi32, #tpu.memory_space<vmem>> -> memref<125xi32, #tpu.memory_space<vmem>>
      %dma_start3A_151 = arith.constant 0 : i32
      %dma_start3A_152 = arith.constant 0 : i32
      %dma_start3A_153 = tpu.memref_slice %arg16[%dma_start3A_151, %dma_start3A_152] : memref<10112x128xbf16, #tpu.memory_space<vmem_shared>> -> memref<10112x128xbf16, #tpu.memory_space<vmem_shared>>
      tpu.enqueue_indirect_dma source(%arg12 : memref<125x128xbf16, #tpu.memory_space<vmem>>) target(%dma_start3A_153 : memref<10112x128xbf16, #tpu.memory_space<vmem_shared>>) offsets(%dma_start3A_150 : memref<125xi32, #tpu.memory_space<vmem>>) semaphore(%arg23 : memref<!tpu.dma_semaphore, #tpu.memory_space<semaphore_mem>>) {add = true}
      %dma_start3A_154 = arith.constant 0 : i32
      %dma_start3A_155 = tpu.memref_slice %arg9[%add3A_141, %dma_start3A_154] : memref<80x125xi32, #tpu.memory_space<vmem>> -> memref<1x125xi32, #tpu.memory_space<vmem>>
      %dma_start3A_156 = tpu.memref_squeeze %dma_start3A_155 : memref<1x125xi32, #tpu.memory_space<vmem>> -> memref<125xi32, #tpu.memory_space<vmem>>
      %dma_start3A_157 = arith.constant 0 : i32
      %dma_start3A_158 = arith.constant 0 : i32
      %dma_start3A_159 = tpu.memref_slice %arg15[%dma_start3A_157, %dma_start3A_158] : memref<10112x16xf32, #tpu.memory_space<vmem_shared>> -> memref<10112x16xf32, #tpu.memory_space<vmem_shared>>
      tpu.enqueue_indirect_dma source(%arg14 : memref<125x16xf32, #tpu.memory_space<vmem>>) target(%dma_start3A_159 : memref<10112x16xf32, #tpu.memory_space<vmem_shared>>) offsets(%dma_start3A_156 : memref<125xi32, #tpu.memory_space<vmem>>) semaphore(%arg23 : memref<!tpu.dma_semaphore, #tpu.memory_space<semaphore_mem>>) {add = true}
      %add3A_160 = arith.constant 2 : i32
      %add3A_161 = arith.addi %add3A_141, %add3A_160 : i32
      %lt3A_162 = arith.constant 80 : i32
      %lt3A_163 = arith.cmpi slt, %add3A_161, %lt3A_162 : i32
      %convert_element_type3A_164 = arith.extui %lt3A_163 : i1 to i32
      %cond3A_165 = arith.constant 0 : i32
      %cond3A_166 = arith.cmpi ne, %convert_element_type3A_164, %cond3A_165 : i32
      scf.if %cond3A_166 {
        %ge3A = arith.constant 2 : i32
        %ge3A_196 = arith.cmpi sge, %add3A_141, %ge3A : i32
        %convert_element_type3A_197 = arith.extui %ge3A_196 : i1 to i32
        %cond3A_198 = arith.constant 0 : i32
        %cond3A_199 = arith.cmpi ne, %convert_element_type3A_197, %cond3A_198 : i32
        scf.if %cond3A_199 {
          %sub3A = arith.constant 2 : i32
          %sub3A_206 = arith.subi %add3A_141, %sub3A : i32
          %dma_wait3A_207 = arith.constant 0 : i32
          %dma_wait3A_208 = tpu.memref_slice %arg9[%sub3A_206, %dma_wait3A_207] : memref<80x125xi32, #tpu.memory_space<vmem>> -> memref<1x125xi32, #tpu.memory_space<vmem>>
          %dma_wait3A_209 = tpu.memref_squeeze %dma_wait3A_208 : memref<1x125xi32, #tpu.memory_space<vmem>> -> memref<125xi32, #tpu.memory_space<vmem>>
          %dma_wait3A_210 = arith.constant 0 : i32
          %dma_wait3A_211 = arith.constant 0 : i32
          %dma_wait3A_212 = tpu.memref_slice %arg16[%dma_wait3A_210, %dma_wait3A_211] : memref<10112x128xbf16, #tpu.memory_space<vmem_shared>> -> memref<10112x128xbf16, #tpu.memory_space<vmem_shared>>
          tpu.wait_indirect_dma semaphore(%arg21 : memref<!tpu.dma_semaphore, #tpu.memory_space<semaphore_mem>>) src(%arg10 : memref<125x128xbf16, #tpu.memory_space<vmem>>) dst(%dma_wait3A_212 : memref<10112x128xbf16, #tpu.memory_space<vmem_shared>>)
          %dma_wait3A_213 = arith.constant 0 : i32
          %dma_wait3A_214 = tpu.memref_slice %arg9[%sub3A_206, %dma_wait3A_213] : memref<80x125xi32, #tpu.memory_space<vmem>> -> memref<1x125xi32, #tpu.memory_space<vmem>>
          %dma_wait3A_215 = tpu.memref_squeeze %dma_wait3A_214 : memref<1x125xi32, #tpu.memory_space<vmem>> -> memref<125xi32, #tpu.memory_space<vmem>>
          %dma_wait3A_216 = arith.constant 0 : i32
          %dma_wait3A_217 = arith.constant 0 : i32
          %dma_wait3A_218 = tpu.memref_slice %arg15[%dma_wait3A_216, %dma_wait3A_217] : memref<10112x16xf32, #tpu.memory_space<vmem_shared>> -> memref<10112x16xf32, #tpu.memory_space<vmem_shared>>
          tpu.wait_indirect_dma semaphore(%arg21 : memref<!tpu.dma_semaphore, #tpu.memory_space<semaphore_mem>>) src(%arg14 : memref<125x16xf32, #tpu.memory_space<vmem>>) dst(%dma_wait3A_218 : memref<10112x16xf32, #tpu.memory_space<vmem_shared>>)
        } else {
        }
        %dma_start3A_200 = arith.constant 0 : i32
        %dma_start3A_201 = tpu.memref_slice %arg8[%add3A_161, %dma_start3A_200] : memref<80x125xi32, #tpu.memory_space<vmem>> -> memref<1x125xi32, #tpu.memory_space<vmem>>
        %dma_start3A_202 = tpu.memref_squeeze %dma_start3A_201 : memref<1x125xi32, #tpu.memory_space<vmem>> -> memref<125xi32, #tpu.memory_space<vmem>>
        %dma_start3A_203 = arith.constant 0 : i32
        %dma_start3A_204 = arith.constant 0 : i32
        %dma_start3A_205 = tpu.memref_slice %arg2[%dma_start3A_203, %dma_start3A_204] : memref<10000x128xbf16, #tpu.memory_space<hbm>> -> memref<10000x128xbf16, #tpu.memory_space<hbm>>
        tpu.enqueue_indirect_dma source(%dma_start3A_205 : memref<10000x128xbf16, #tpu.memory_space<hbm>>) target(%arg10 : memref<125x128xbf16, #tpu.memory_space<vmem>>) offsets(%dma_start3A_202 : memref<125xi32, #tpu.memory_space<vmem>>) semaphore(%arg17 : memref<!tpu.dma_semaphore, #tpu.memory_space<semaphore_mem>>)
      } else {
      }
      %mul3A_167 = arith.constant 4 : i32
      %mul3A_168 = arith.muli %mul3A_167, %scan3A_83 : i32
      %add3A_169 = arith.constant 3 : i32
      %add3A_170 = arith.addi %mul3A_168, %add3A_169 : i32
      %dma_wait3A_171 = arith.constant 0 : i32
      %dma_wait3A_172 = tpu.memref_slice %arg8[%add3A_170, %dma_wait3A_171] : memref<80x125xi32, #tpu.memory_space<vmem>> -> memref<1x125xi32, #tpu.memory_space<vmem>>
      %dma_wait3A_173 = tpu.memref_squeeze %dma_wait3A_172 : memref<1x125xi32, #tpu.memory_space<vmem>> -> memref<125xi32, #tpu.memory_space<vmem>>
      %dma_wait3A_174 = arith.constant 0 : i32
      %dma_wait3A_175 = arith.constant 0 : i32
      %dma_wait3A_176 = tpu.memref_slice %arg2[%dma_wait3A_174, %dma_wait3A_175] : memref<10000x128xbf16, #tpu.memory_space<hbm>> -> memref<10000x128xbf16, #tpu.memory_space<hbm>>
      tpu.wait_indirect_dma semaphore(%arg20 : memref<!tpu.dma_semaphore, #tpu.memory_space<semaphore_mem>>) src(%dma_wait3A_176 : memref<10000x128xbf16, #tpu.memory_space<hbm>>) dst(%arg13 : memref<125x128xbf16, #tpu.memory_space<vmem>>)
      %dma_start3A_177 = arith.constant 0 : i32
      %dma_start3A_178 = tpu.memref_slice %arg9[%add3A_170, %dma_start3A_177] : memref<80x125xi32, #tpu.memory_space<vmem>> -> memref<1x125xi32, #tpu.memory_space<vmem>>
      %dma_start3A_179 = tpu.memref_squeeze %dma_start3A_178 : memref<1x125xi32, #tpu.memory_space<vmem>> -> memref<125xi32, #tpu.memory_space<vmem>>
      %dma_start3A_180 = arith.constant 0 : i32
      %dma_start3A_181 = arith.constant 0 : i32
      %dma_start3A_182 = tpu.memref_slice %arg16[%dma_start3A_180, %dma_start3A_181] : memref<10112x128xbf16, #tpu.memory_space<vmem_shared>> -> memref<10112x128xbf16, #tpu.memory_space<vmem_shared>>
      tpu.enqueue_indirect_dma source(%arg13 : memref<125x128xbf16, #tpu.memory_space<vmem>>) target(%dma_start3A_182 : memref<10112x128xbf16, #tpu.memory_space<vmem_shared>>) offsets(%dma_start3A_179 : memref<125xi32, #tpu.memory_space<vmem>>) semaphore(%arg24 : memref<!tpu.dma_semaphore, #tpu.memory_space<semaphore_mem>>) {add = true}
      %dma_start3A_183 = arith.constant 0 : i32
      %dma_start3A_184 = tpu.memref_slice %arg9[%add3A_170, %dma_start3A_183] : memref<80x125xi32, #tpu.memory_space<vmem>> -> memref<1x125xi32, #tpu.memory_space<vmem>>
      %dma_start3A_185 = tpu.memref_squeeze %dma_start3A_184 : memref<1x125xi32, #tpu.memory_space<vmem>> -> memref<125xi32, #tpu.memory_space<vmem>>
      %dma_start3A_186 = arith.constant 0 : i32
      %dma_start3A_187 = arith.constant 0 : i32
      %dma_start3A_188 = tpu.memref_slice %arg15[%dma_start3A_186, %dma_start3A_187] : memref<10112x16xf32, #tpu.memory_space<vmem_shared>> -> memref<10112x16xf32, #tpu.memory_space<vmem_shared>>
      tpu.enqueue_indirect_dma source(%arg14 : memref<125x16xf32, #tpu.memory_space<vmem>>) target(%dma_start3A_188 : memref<10112x16xf32, #tpu.memory_space<vmem_shared>>) offsets(%dma_start3A_185 : memref<125xi32, #tpu.memory_space<vmem>>) semaphore(%arg24 : memref<!tpu.dma_semaphore, #tpu.memory_space<semaphore_mem>>) {add = true}
      %add3A_189 = arith.constant 2 : i32
      %add3A_190 = arith.addi %add3A_170, %add3A_189 : i32
      %lt3A_191 = arith.constant 80 : i32
      %lt3A_192 = arith.cmpi slt, %add3A_190, %lt3A_191 : i32
      %convert_element_type3A_193 = arith.extui %lt3A_192 : i1 to i32
      %cond3A_194 = arith.constant 0 : i32
      %cond3A_195 = arith.cmpi ne, %convert_element_type3A_193, %cond3A_194 : i32
      scf.if %cond3A_195 {
        %ge3A = arith.constant 2 : i32
        %ge3A_196 = arith.cmpi sge, %add3A_170, %ge3A : i32
        %convert_element_type3A_197 = arith.extui %ge3A_196 : i1 to i32
        %cond3A_198 = arith.constant 0 : i32
        %cond3A_199 = arith.cmpi ne, %convert_element_type3A_197, %cond3A_198 : i32
        scf.if %cond3A_199 {
          %sub3A = arith.constant 2 : i32
          %sub3A_206 = arith.subi %add3A_170, %sub3A : i32
          %dma_wait3A_207 = arith.constant 0 : i32
          %dma_wait3A_208 = tpu.memref_slice %arg9[%sub3A_206, %dma_wait3A_207] : memref<80x125xi32, #tpu.memory_space<vmem>> -> memref<1x125xi32, #tpu.memory_space<vmem>>
          %dma_wait3A_209 = tpu.memref_squeeze %dma_wait3A_208 : memref<1x125xi32, #tpu.memory_space<vmem>> -> memref<125xi32, #tpu.memory_space<vmem>>
          %dma_wait3A_210 = arith.constant 0 : i32
          %dma_wait3A_211 = arith.constant 0 : i32
          %dma_wait3A_212 = tpu.memref_slice %arg16[%dma_wait3A_210, %dma_wait3A_211] : memref<10112x128xbf16, #tpu.memory_space<vmem_shared>> -> memref<10112x128xbf16, #tpu.memory_space<vmem_shared>>
          tpu.wait_indirect_dma semaphore(%arg22 : memref<!tpu.dma_semaphore, #tpu.memory_space<semaphore_mem>>) src(%arg11 : memref<125x128xbf16, #tpu.memory_space<vmem>>) dst(%dma_wait3A_212 : memref<10112x128xbf16, #tpu.memory_space<vmem_shared>>)
          %dma_wait3A_213 = arith.constant 0 : i32
          %dma_wait3A_214 = tpu.memref_slice %arg9[%sub3A_206, %dma_wait3A_213] : memref<80x125xi32, #tpu.memory_space<vmem>> -> memref<1x125xi32, #tpu.memory_space<vmem>>
          %dma_wait3A_215 = tpu.memref_squeeze %dma_wait3A_214 : memref<1x125xi32, #tpu.memory_space<vmem>> -> memref<125xi32, #tpu.memory_space<vmem>>
          %dma_wait3A_216 = arith.constant 0 : i32
          %dma_wait3A_217 = arith.constant 0 : i32
          %dma_wait3A_218 = tpu.memref_slice %arg15[%dma_wait3A_216, %dma_wait3A_217] : memref<10112x16xf32, #tpu.memory_space<vmem_shared>> -> memref<10112x16xf32, #tpu.memory_space<vmem_shared>>
          tpu.wait_indirect_dma semaphore(%arg22 : memref<!tpu.dma_semaphore, #tpu.memory_space<semaphore_mem>>) src(%arg14 : memref<125x16xf32, #tpu.memory_space<vmem>>) dst(%dma_wait3A_218 : memref<10112x16xf32, #tpu.memory_space<vmem_shared>>)
        } else {
        }
        %dma_start3A_200 = arith.constant 0 : i32
        %dma_start3A_201 = tpu.memref_slice %arg8[%add3A_190, %dma_start3A_200] : memref<80x125xi32, #tpu.memory_space<vmem>> -> memref<1x125xi32, #tpu.memory_space<vmem>>
        %dma_start3A_202 = tpu.memref_squeeze %dma_start3A_201 : memref<1x125xi32, #tpu.memory_space<vmem>> -> memref<125xi32, #tpu.memory_space<vmem>>
        %dma_start3A_203 = arith.constant 0 : i32
        %dma_start3A_204 = arith.constant 0 : i32
        %dma_start3A_205 = tpu.memref_slice %arg2[%dma_start3A_203, %dma_start3A_204] : memref<10000x128xbf16, #tpu.memory_space<hbm>> -> memref<10000x128xbf16, #tpu.memory_space<hbm>>
        tpu.enqueue_indirect_dma source(%dma_start3A_205 : memref<10000x128xbf16, #tpu.memory_space<hbm>>) target(%arg11 : memref<125x128xbf16, #tpu.memory_space<vmem>>) offsets(%dma_start3A_202 : memref<125xi32, #tpu.memory_space<vmem>>) semaphore(%arg18 : memref<!tpu.dma_semaphore, #tpu.memory_space<semaphore_mem>>)
      } else {
      }
    }
    %scan3A_26 = arith.constant 20 : i32
    %dma_wait3A = arith.constant 76 : i32
    %dma_wait3A_27 = arith.constant 0 : i32
    %dma_wait3A_28 = tpu.memref_slice %arg9[%dma_wait3A, %dma_wait3A_27] : memref<80x125xi32, #tpu.memory_space<vmem>> -> memref<1x125xi32, #tpu.memory_space<vmem>>
    %dma_wait3A_29 = tpu.memref_squeeze %dma_wait3A_28 : memref<1x125xi32, #tpu.memory_space<vmem>> -> memref<125xi32, #tpu.memory_space<vmem>>
    %dma_wait3A_30 = arith.constant 0 : i32
    %dma_wait3A_31 = arith.constant 0 : i32
    %dma_wait3A_32 = tpu.memref_slice %arg16[%dma_wait3A_30, %dma_wait3A_31] : memref<10112x128xbf16, #tpu.memory_space<vmem_shared>> -> memref<10112x128xbf16, #tpu.memory_space<vmem_shared>>
    tpu.wait_indirect_dma semaphore(%arg21 : memref<!tpu.dma_semaphore, #tpu.memory_space<semaphore_mem>>) src(%arg10 : memref<125x128xbf16, #tpu.memory_space<vmem>>) dst(%dma_wait3A_32 : memref<10112x128xbf16, #tpu.memory_space<vmem_shared>>)
    %dma_wait3A_33 = arith.constant 76 : i32
    %dma_wait3A_34 = arith.constant 0 : i32
    %dma_wait3A_35 = tpu.memref_slice %arg9[%dma_wait3A_33, %dma_wait3A_34] : memref<80x125xi32, #tpu.memory_space<vmem>> -> memref<1x125xi32, #tpu.memory_space<vmem>>
    %dma_wait3A_36 = tpu.memref_squeeze %dma_wait3A_35 : memref<1x125xi32, #tpu.memory_space<vmem>> -> memref<125xi32, #tpu.memory_space<vmem>>
    %dma_wait3A_37 = arith.constant 0 : i32
    %dma_wait3A_38 = arith.constant 0 : i32
    %dma_wait3A_39 = tpu.memref_slice %arg15[%dma_wait3A_37, %dma_wait3A_38] : memref<10112x16xf32, #tpu.memory_space<vmem_shared>> -> memref<10112x16xf32, #tpu.memory_space<vmem_shared>>
    tpu.wait_indirect_dma semaphore(%arg21 : memref<!tpu.dma_semaphore, #tpu.memory_space<semaphore_mem>>) src(%arg14 : memref<125x16xf32, #tpu.memory_space<vmem>>) dst(%dma_wait3A_39 : memref<10112x16xf32, #tpu.memory_space<vmem_shared>>)
    %dma_wait3A_40 = arith.constant 77 : i32
    %dma_wait3A_41 = arith.constant 0 : i32
    %dma_wait3A_42 = tpu.memref_slice %arg9[%dma_wait3A_40, %dma_wait3A_41] : memref<80x125xi32, #tpu.memory_space<vmem>> -> memref<1x125xi32, #tpu.memory_space<vmem>>
    %dma_wait3A_43 = tpu.memref_squeeze %dma_wait3A_42 : memref<1x125xi32, #tpu.memory_space<vmem>> -> memref<125xi32, #tpu.memory_space<vmem>>
    %dma_wait3A_44 = arith.constant 0 : i32
    %dma_wait3A_45 = arith.constant 0 : i32
    %dma_wait3A_46 = tpu.memref_slice %arg16[%dma_wait3A_44, %dma_wait3A_45] : memref<10112x128xbf16, #tpu.memory_space<vmem_shared>> -> memref<10112x128xbf16, #tpu.memory_space<vmem_shared>>
    tpu.wait_indirect_dma semaphore(%arg22 : memref<!tpu.dma_semaphore, #tpu.memory_space<semaphore_mem>>) src(%arg11 : memref<125x128xbf16, #tpu.memory_space<vmem>>) dst(%dma_wait3A_46 : memref<10112x128xbf16, #tpu.memory_space<vmem_shared>>)
    %dma_wait3A_47 = arith.constant 77 : i32
    %dma_wait3A_48 = arith.constant 0 : i32
    %dma_wait3A_49 = tpu.memref_slice %arg9[%dma_wait3A_47, %dma_wait3A_48] : memref<80x125xi32, #tpu.memory_space<vmem>> -> memref<1x125xi32, #tpu.memory_space<vmem>>
    %dma_wait3A_50 = tpu.memref_squeeze %dma_wait3A_49 : memref<1x125xi32, #tpu.memory_space<vmem>> -> memref<125xi32, #tpu.memory_space<vmem>>
    %dma_wait3A_51 = arith.constant 0 : i32
    %dma_wait3A_52 = arith.constant 0 : i32
    %dma_wait3A_53 = tpu.memref_slice %arg15[%dma_wait3A_51, %dma_wait3A_52] : memref<10112x16xf32, #tpu.memory_space<vmem_shared>> -> memref<10112x16xf32, #tpu.memory_space<vmem_shared>>
    tpu.wait_indirect_dma semaphore(%arg22 : memref<!tpu.dma_semaphore, #tpu.memory_space<semaphore_mem>>) src(%arg14 : memref<125x16xf32, #tpu.memory_space<vmem>>) dst(%dma_wait3A_53 : memref<10112x16xf32, #tpu.memory_space<vmem_shared>>)
    %dma_wait3A_54 = arith.constant 78 : i32
    %dma_wait3A_55 = arith.constant 0 : i32
    %dma_wait3A_56 = tpu.memref_slice %arg9[%dma_wait3A_54, %dma_wait3A_55] : memref<80x125xi32, #tpu.memory_space<vmem>> -> memref<1x125xi32, #tpu.memory_space<vmem>>
    %dma_wait3A_57 = tpu.memref_squeeze %dma_wait3A_56 : memref<1x125xi32, #tpu.memory_space<vmem>> -> memref<125xi32, #tpu.memory_space<vmem>>
    %dma_wait3A_58 = arith.constant 0 : i32
    %dma_wait3A_59 = arith.constant 0 : i32
    %dma_wait3A_60 = tpu.memref_slice %arg16[%dma_wait3A_58, %dma_wait3A_59] : memref<10112x128xbf16, #tpu.memory_space<vmem_shared>> -> memref<10112x128xbf16, #tpu.memory_space<vmem_shared>>
    tpu.wait_indirect_dma semaphore(%arg23 : memref<!tpu.dma_semaphore, #tpu.memory_space<semaphore_mem>>) src(%arg12 : memref<125x128xbf16, #tpu.memory_space<vmem>>) dst(%dma_wait3A_60 : memref<10112x128xbf16, #tpu.memory_space<vmem_shared>>)
    %dma_wait3A_61 = arith.constant 78 : i32
    %dma_wait3A_62 = arith.constant 0 : i32
    %dma_wait3A_63 = tpu.memref_slice %arg9[%dma_wait3A_61, %dma_wait3A_62] : memref<80x125xi32, #tpu.memory_space<vmem>> -> memref<1x125xi32, #tpu.memory_space<vmem>>
    %dma_wait3A_64 = tpu.memref_squeeze %dma_wait3A_63 : memref<1x125xi32, #tpu.memory_space<vmem>> -> memref<125xi32, #tpu.memory_space<vmem>>
    %dma_wait3A_65 = arith.constant 0 : i32
    %dma_wait3A_66 = arith.constant 0 : i32
    %dma_wait3A_67 = tpu.memref_slice %arg15[%dma_wait3A_65, %dma_wait3A_66] : memref<10112x16xf32, #tpu.memory_space<vmem_shared>> -> memref<10112x16xf32, #tpu.memory_space<vmem_shared>>
    tpu.wait_indirect_dma semaphore(%arg23 : memref<!tpu.dma_semaphore, #tpu.memory_space<semaphore_mem>>) src(%arg14 : memref<125x16xf32, #tpu.memory_space<vmem>>) dst(%dma_wait3A_67 : memref<10112x16xf32, #tpu.memory_space<vmem_shared>>)
    %dma_wait3A_68 = arith.constant 79 : i32
    %dma_wait3A_69 = arith.constant 0 : i32
    %dma_wait3A_70 = tpu.memref_slice %arg9[%dma_wait3A_68, %dma_wait3A_69] : memref<80x125xi32, #tpu.memory_space<vmem>> -> memref<1x125xi32, #tpu.memory_space<vmem>>
    %dma_wait3A_71 = tpu.memref_squeeze %dma_wait3A_70 : memref<1x125xi32, #tpu.memory_space<vmem>> -> memref<125xi32, #tpu.memory_space<vmem>>
    %dma_wait3A_72 = arith.constant 0 : i32
    %dma_wait3A_73 = arith.constant 0 : i32
    %dma_wait3A_74 = tpu.memref_slice %arg16[%dma_wait3A_72, %dma_wait3A_73] : memref<10112x128xbf16, #tpu.memory_space<vmem_shared>> -> memref<10112x128xbf16, #tpu.memory_space<vmem_shared>>
    tpu.wait_indirect_dma semaphore(%arg24 : memref<!tpu.dma_semaphore, #tpu.memory_space<semaphore_mem>>) src(%arg13 : memref<125x128xbf16, #tpu.memory_space<vmem>>) dst(%dma_wait3A_74 : memref<10112x128xbf16, #tpu.memory_space<vmem_shared>>)
    %dma_wait3A_75 = arith.constant 79 : i32
    %dma_wait3A_76 = arith.constant 0 : i32
    %dma_wait3A_77 = tpu.memref_slice %arg9[%dma_wait3A_75, %dma_wait3A_76] : memref<80x125xi32, #tpu.memory_space<vmem>> -> memref<1x125xi32, #tpu.memory_space<vmem>>
    %dma_wait3A_78 = tpu.memref_squeeze %dma_wait3A_77 : memref<1x125xi32, #tpu.memory_space<vmem>> -> memref<125xi32, #tpu.memory_space<vmem>>
    %dma_wait3A_79 = arith.constant 0 : i32
    %dma_wait3A_80 = arith.constant 0 : i32
    %dma_wait3A_81 = tpu.memref_slice %arg15[%dma_wait3A_79, %dma_wait3A_80] : memref<10112x16xf32, #tpu.memory_space<vmem_shared>> -> memref<10112x16xf32, #tpu.memory_space<vmem_shared>>
    tpu.wait_indirect_dma semaphore(%arg24 : memref<!tpu.dma_semaphore, #tpu.memory_space<semaphore_mem>>) src(%arg14 : memref<125x16xf32, #tpu.memory_space<vmem>>) dst(%dma_wait3A_81 : memref<10112x16xf32, #tpu.memory_space<vmem_shared>>)
    %barrier3A_82 = arith.constant 0 : index
    tpu.barrier barrier_id(%barrier3A_82)
    "tpu.region"() ({
      %run_scoped3A_83 = tpu.sem_alloc : memref<!tpu.dma_semaphore, #tpu.memory_space<semaphore_mem>>
      %dma_start3A_84 = arith.constant 0 : i32
      %dma_start3A_85 = arith.constant 0 : i32
      %dma_start3A_86 = tpu.memref_slice %arg6[%arg0, %dma_start3A_84, %dma_start3A_85] : memref<2x10112x128xbf16, #tpu.memory_space<hbm>> -> memref<1x10112x128xbf16, #tpu.memory_space<hbm>>
      %dma_start3A_87 = tpu.memref_squeeze %dma_start3A_86 : memref<1x10112x128xbf16, #tpu.memory_space<hbm>> -> memref<10112x128xbf16, #tpu.memory_space<hbm>>
      %dma_start3A_88 = arith.constant 0 : i32
      %dma_start3A_89 = tpu.memref_slice %dma_start3A_87[%mul3A_0, %dma_start3A_88] : memref<10112x128xbf16, #tpu.memory_space<hbm>> -> memref<632x128xbf16, #tpu.memory_space<hbm>>
      %dma_start3A_90 = arith.constant 0 : i32
      %dma_start3A_91 = tpu.memref_slice %arg16[%mul3A_0, %dma_start3A_90] : memref<10112x128xbf16, #tpu.memory_space<vmem_shared>> -> memref<632x128xbf16, #tpu.memory_space<vmem_shared>>
      tpu.enqueue_dma source(%dma_start3A_91 : memref<632x128xbf16, #tpu.memory_space<vmem_shared>>) target(%dma_start3A_89 : memref<632x128xbf16, #tpu.memory_space<hbm>>) target_semaphore(%run_scoped3A_83 : memref<!tpu.dma_semaphore, #tpu.memory_space<semaphore_mem>>)
      %dma_wait3A_92 = arith.constant 0 : i32
      %dma_wait3A_93 = arith.constant 0 : i32
      %dma_wait3A_94 = tpu.memref_slice %arg6[%arg0, %dma_wait3A_92, %dma_wait3A_93] : memref<2x10112x128xbf16, #tpu.memory_space<hbm>> -> memref<1x10112x128xbf16, #tpu.memory_space<hbm>>
      %dma_wait3A_95 = tpu.memref_squeeze %dma_wait3A_94 : memref<1x10112x128xbf16, #tpu.memory_space<hbm>> -> memref<10112x128xbf16, #tpu.memory_space<hbm>>
      %dma_wait3A_96 = arith.constant 0 : i32
      %dma_wait3A_97 = tpu.memref_slice %dma_wait3A_95[%mul3A_0, %dma_wait3A_96] : memref<10112x128xbf16, #tpu.memory_space<hbm>> -> memref<632x128xbf16, #tpu.memory_space<hbm>>
      %dma_wait3A_98 = arith.constant 0 : i32
      %dma_wait3A_99 = tpu.memref_slice %arg16[%mul3A_0, %dma_wait3A_98] : memref<10112x128xbf16, #tpu.memory_space<vmem_shared>> -> memref<632x128xbf16, #tpu.memory_space<vmem_shared>>
      tpu.wait_dma2 semaphore(%run_scoped3A_83 : memref<!tpu.dma_semaphore, #tpu.memory_space<semaphore_mem>>) src(%dma_wait3A_99 : memref<632x128xbf16, #tpu.memory_space<vmem_shared>>) dst(%dma_wait3A_97 : memref<632x128xbf16, #tpu.memory_space<hbm>>)
      tpu.yield
    }) : () -> ()
    "tpu.region"() ({
      %run_scoped3A_83 = tpu.sem_alloc : memref<!tpu.dma_semaphore, #tpu.memory_space<semaphore_mem>>
      %dma_start3A_84 = arith.constant 0 : i32
      %dma_start3A_85 = arith.constant 0 : i32
      %dma_start3A_86 = tpu.memref_slice %arg7[%arg0, %dma_start3A_84, %dma_start3A_85] : memref<2x10112x16xf32, #tpu.memory_space<hbm>> -> memref<1x10112x16xf32, #tpu.memory_space<hbm>>
      %dma_start3A_87 = tpu.memref_squeeze %dma_start3A_86 : memref<1x10112x16xf32, #tpu.memory_space<hbm>> -> memref<10112x16xf32, #tpu.memory_space<hbm>>
      %dma_start3A_88 = arith.constant 0 : i32
      %dma_start3A_89 = tpu.memref_slice %dma_start3A_87[%mul3A_0, %dma_start3A_88] : memref<10112x16xf32, #tpu.memory_space<hbm>> -> memref<632x16xf32, #tpu.memory_space<hbm>>
      %dma_start3A_90 = arith.constant 0 : i32
      %dma_start3A_91 = tpu.memref_slice %arg15[%mul3A_0, %dma_start3A_90] : memref<10112x16xf32, #tpu.memory_space<vmem_shared>> -> memref<632x16xf32, #tpu.memory_space<vmem_shared>>
      tpu.enqueue_dma source(%dma_start3A_91 : memref<632x16xf32, #tpu.memory_space<vmem_shared>>) target(%dma_start3A_89 : memref<632x16xf32, #tpu.memory_space<hbm>>) target_semaphore(%run_scoped3A_83 : memref<!tpu.dma_semaphore, #tpu.memory_space<semaphore_mem>>)
      %dma_wait3A_92 = arith.constant 0 : i32
      %dma_wait3A_93 = arith.constant 0 : i32
      %dma_wait3A_94 = tpu.memref_slice %arg7[%arg0, %dma_wait3A_92, %dma_wait3A_93] : memref<2x10112x16xf32, #tpu.memory_space<hbm>> -> memref<1x10112x16xf32, #tpu.memory_space<hbm>>
      %dma_wait3A_95 = tpu.memref_squeeze %dma_wait3A_94 : memref<1x10112x16xf32, #tpu.memory_space<hbm>> -> memref<10112x16xf32, #tpu.memory_space<hbm>>
      %dma_wait3A_96 = arith.constant 0 : i32
      %dma_wait3A_97 = tpu.memref_slice %dma_wait3A_95[%mul3A_0, %dma_wait3A_96] : memref<10112x16xf32, #tpu.memory_space<hbm>> -> memref<632x16xf32, #tpu.memory_space<hbm>>
      %dma_wait3A_98 = arith.constant 0 : i32
      %dma_wait3A_99 = tpu.memref_slice %arg15[%mul3A_0, %dma_wait3A_98] : memref<10112x16xf32, #tpu.memory_space<vmem_shared>> -> memref<632x16xf32, #tpu.memory_space<vmem_shared>>
      tpu.wait_dma2 semaphore(%run_scoped3A_83 : memref<!tpu.dma_semaphore, #tpu.memory_space<semaphore_mem>>) src(%dma_wait3A_99 : memref<632x16xf32, #tpu.memory_space<vmem_shared>>) dst(%dma_wait3A_97 : memref<632x16xf32, #tpu.memory_space<hbm>>)
      tpu.yield
    }) : () -> ()
    return
  }
}

#map = affine_map<(d0, d1) -> (0, 0)>
#map1 = affine_map<(d0, d1) -> (0, 0, 0, 0, 0)>
#map2 = affine_map<(d0, d1) -> (0, 0, 0)>
module attributes {stable_mosaic.version = 14 : i64} {
  func.func @seg(%arg0: i32, %arg1: i32, %arg2: memref<10000x128xbf16, #tpu.memory_space<hbm>>, %arg3: memref<2x2x16x80x125xi32, #tpu.memory_space<hbm>>, %arg4: memref<632x128xbf16, #tpu.memory_space<hbm>>, %arg5: memref<2x10112x128xbf16, #tpu.memory_space<hbm>>, %arg6: memref<80x125xi32, #tpu.memory_space<vmem>>, %arg7: memref<80x125xi32, #tpu.memory_space<vmem>>, %arg8: memref<125x128xbf16, #tpu.memory_space<vmem>>, %arg9: memref<125x128xbf16, #tpu.memory_space<vmem>>, %arg10: memref<125x128xbf16, #tpu.memory_space<vmem>>, %arg11: memref<125x128xbf16, #tpu.memory_space<vmem>>, %arg12: memref<10112x128xbf16, #tpu.memory_space<vmem_shared>>, %arg13: memref<!tpu.dma_semaphore, #tpu.memory_space<semaphore_mem>>, %arg14: memref<!tpu.dma_semaphore, #tpu.memory_space<semaphore_mem>>, %arg15: memref<!tpu.dma_semaphore, #tpu.memory_space<semaphore_mem>>, %arg16: memref<!tpu.dma_semaphore, #tpu.memory_space<semaphore_mem>>, %arg17: memref<!tpu.dma_semaphore, #tpu.memory_space<semaphore_mem>>, %arg18: memref<!tpu.dma_semaphore, #tpu.memory_space<semaphore_mem>>, %arg19: memref<!tpu.dma_semaphore, #tpu.memory_space<semaphore_mem>>, %arg20: memref<!tpu.dma_semaphore, #tpu.memory_space<semaphore_mem>>) attributes {dimension_semantics = [#tpu.dimension_semantics<core_parallel>, #tpu.dimension_semantics<subcore_parallel>], iteration_bounds = array<i64: 2, 16>, scalar_prefetch = 0 : i64, scratch_operands = 15 : i64, tpu.core_type = #tpu.core_type<sc_vector_subcore>, window_params = [{transform_indices = #map}, {transform_indices = #map1}, {transform_indices = #map}, {transform_indices = #map2}]} {
    %mul3A = arith.constant 632 : i32
    %mul3A_0 = arith.muli %arg1, %mul3A : i32
    %run_scoped3A = arith.constant 0 : i32
    "tpu.region"() ({
      %run_scoped3A_48 = tpu.sem_alloc : memref<!tpu.dma_semaphore, #tpu.memory_space<semaphore_mem>>
      %dma_start3A_49 = arith.constant 0 : i32
      %dma_start3A_50 = arith.constant 0 : i32
      %dma_start3A_51 = tpu.memref_slice %arg3[%run_scoped3A, %arg0, %arg1, %dma_start3A_49, %dma_start3A_50] : memref<2x2x16x80x125xi32, #tpu.memory_space<hbm>> -> memref<1x1x1x80x125xi32, #tpu.memory_space<hbm>>
      %dma_start3A_52 = tpu.memref_squeeze %dma_start3A_51 : memref<1x1x1x80x125xi32, #tpu.memory_space<hbm>> -> memref<80x125xi32, #tpu.memory_space<hbm>>
      %dma_start3A_53 = arith.constant 0 : i32
      %dma_start3A_54 = arith.constant 0 : i32
      %dma_start3A_55 = tpu.memref_slice %arg3[%run_scoped3A, %arg0, %arg1, %dma_start3A_53, %dma_start3A_54] : memref<2x2x16x80x125xi32, #tpu.memory_space<hbm>> -> memref<1x1x1x80x125xi32, #tpu.memory_space<hbm>>
      %dma_start3A_56 = tpu.memref_squeeze %dma_start3A_55 : memref<1x1x1x80x125xi32, #tpu.memory_space<hbm>> -> memref<80x125xi32, #tpu.memory_space<hbm>>
      tpu.enqueue_dma source(%dma_start3A_56 : memref<80x125xi32, #tpu.memory_space<hbm>>) target(%arg6 : memref<80x125xi32, #tpu.memory_space<vmem>>) target_semaphore(%run_scoped3A_48 : memref<!tpu.dma_semaphore, #tpu.memory_space<semaphore_mem>>)
      %dma_wait3A_57 = arith.constant 0 : i32
      %dma_wait3A_58 = arith.constant 0 : i32
      %dma_wait3A_59 = tpu.memref_slice %arg3[%run_scoped3A, %arg0, %arg1, %dma_wait3A_57, %dma_wait3A_58] : memref<2x2x16x80x125xi32, #tpu.memory_space<hbm>> -> memref<1x1x1x80x125xi32, #tpu.memory_space<hbm>>
      %dma_wait3A_60 = tpu.memref_squeeze %dma_wait3A_59 : memref<1x1x1x80x125xi32, #tpu.memory_space<hbm>> -> memref<80x125xi32, #tpu.memory_space<hbm>>
      %dma_wait3A_61 = arith.constant 0 : i32
      %dma_wait3A_62 = arith.constant 0 : i32
      %dma_wait3A_63 = tpu.memref_slice %arg3[%run_scoped3A, %arg0, %arg1, %dma_wait3A_61, %dma_wait3A_62] : memref<2x2x16x80x125xi32, #tpu.memory_space<hbm>> -> memref<1x1x1x80x125xi32, #tpu.memory_space<hbm>>
      %dma_wait3A_64 = tpu.memref_squeeze %dma_wait3A_63 : memref<1x1x1x80x125xi32, #tpu.memory_space<hbm>> -> memref<80x125xi32, #tpu.memory_space<hbm>>
      tpu.wait_dma2 semaphore(%run_scoped3A_48 : memref<!tpu.dma_semaphore, #tpu.memory_space<semaphore_mem>>) src(%dma_wait3A_64 : memref<80x125xi32, #tpu.memory_space<hbm>>) dst(%arg6 : memref<80x125xi32, #tpu.memory_space<vmem>>)
      tpu.yield
    }) : () -> ()
    %run_scoped3A_1 = arith.constant 1 : i32
    "tpu.region"() ({
      %run_scoped3A_48 = tpu.sem_alloc : memref<!tpu.dma_semaphore, #tpu.memory_space<semaphore_mem>>
      %dma_start3A_49 = arith.constant 0 : i32
      %dma_start3A_50 = arith.constant 0 : i32
      %dma_start3A_51 = tpu.memref_slice %arg3[%run_scoped3A_1, %arg0, %arg1, %dma_start3A_49, %dma_start3A_50] : memref<2x2x16x80x125xi32, #tpu.memory_space<hbm>> -> memref<1x1x1x80x125xi32, #tpu.memory_space<hbm>>
      %dma_start3A_52 = tpu.memref_squeeze %dma_start3A_51 : memref<1x1x1x80x125xi32, #tpu.memory_space<hbm>> -> memref<80x125xi32, #tpu.memory_space<hbm>>
      %dma_start3A_53 = arith.constant 0 : i32
      %dma_start3A_54 = arith.constant 0 : i32
      %dma_start3A_55 = tpu.memref_slice %arg3[%run_scoped3A_1, %arg0, %arg1, %dma_start3A_53, %dma_start3A_54] : memref<2x2x16x80x125xi32, #tpu.memory_space<hbm>> -> memref<1x1x1x80x125xi32, #tpu.memory_space<hbm>>
      %dma_start3A_56 = tpu.memref_squeeze %dma_start3A_55 : memref<1x1x1x80x125xi32, #tpu.memory_space<hbm>> -> memref<80x125xi32, #tpu.memory_space<hbm>>
      tpu.enqueue_dma source(%dma_start3A_56 : memref<80x125xi32, #tpu.memory_space<hbm>>) target(%arg7 : memref<80x125xi32, #tpu.memory_space<vmem>>) target_semaphore(%run_scoped3A_48 : memref<!tpu.dma_semaphore, #tpu.memory_space<semaphore_mem>>)
      %dma_wait3A_57 = arith.constant 0 : i32
      %dma_wait3A_58 = arith.constant 0 : i32
      %dma_wait3A_59 = tpu.memref_slice %arg3[%run_scoped3A_1, %arg0, %arg1, %dma_wait3A_57, %dma_wait3A_58] : memref<2x2x16x80x125xi32, #tpu.memory_space<hbm>> -> memref<1x1x1x80x125xi32, #tpu.memory_space<hbm>>
      %dma_wait3A_60 = tpu.memref_squeeze %dma_wait3A_59 : memref<1x1x1x80x125xi32, #tpu.memory_space<hbm>> -> memref<80x125xi32, #tpu.memory_space<hbm>>
      %dma_wait3A_61 = arith.constant 0 : i32
      %dma_wait3A_62 = arith.constant 0 : i32
      %dma_wait3A_63 = tpu.memref_slice %arg3[%run_scoped3A_1, %arg0, %arg1, %dma_wait3A_61, %dma_wait3A_62] : memref<2x2x16x80x125xi32, #tpu.memory_space<hbm>> -> memref<1x1x1x80x125xi32, #tpu.memory_space<hbm>>
      %dma_wait3A_64 = tpu.memref_squeeze %dma_wait3A_63 : memref<1x1x1x80x125xi32, #tpu.memory_space<hbm>> -> memref<80x125xi32, #tpu.memory_space<hbm>>
      tpu.wait_dma2 semaphore(%run_scoped3A_48 : memref<!tpu.dma_semaphore, #tpu.memory_space<semaphore_mem>>) src(%dma_wait3A_64 : memref<80x125xi32, #tpu.memory_space<hbm>>) dst(%arg7 : memref<80x125xi32, #tpu.memory_space<vmem>>)
      tpu.yield
    }) : () -> ()
    "tpu.region"() ({
      %run_scoped3A_48 = tpu.sem_alloc : memref<!tpu.dma_semaphore, #tpu.memory_space<semaphore_mem>>
      %dma_start3A_49 = arith.constant 0 : i32
      %dma_start3A_50 = tpu.memref_slice %arg12[%mul3A_0, %dma_start3A_49] : memref<10112x128xbf16, #tpu.memory_space<vmem_shared>> -> memref<632x128xbf16, #tpu.memory_space<vmem_shared>>
      tpu.enqueue_dma source(%arg4 : memref<632x128xbf16, #tpu.memory_space<hbm>>) target(%dma_start3A_50 : memref<632x128xbf16, #tpu.memory_space<vmem_shared>>) target_semaphore(%run_scoped3A_48 : memref<!tpu.dma_semaphore, #tpu.memory_space<semaphore_mem>>)
      %dma_wait3A_51 = arith.constant 0 : i32
      %dma_wait3A_52 = tpu.memref_slice %arg12[%mul3A_0, %dma_wait3A_51] : memref<10112x128xbf16, #tpu.memory_space<vmem_shared>> -> memref<632x128xbf16, #tpu.memory_space<vmem_shared>>
      tpu.wait_dma2 semaphore(%run_scoped3A_48 : memref<!tpu.dma_semaphore, #tpu.memory_space<semaphore_mem>>) src(%arg4 : memref<632x128xbf16, #tpu.memory_space<hbm>>) dst(%dma_wait3A_52 : memref<632x128xbf16, #tpu.memory_space<vmem_shared>>)
      tpu.yield
    }) : () -> ()
    %barrier3A = arith.constant 0 : index
    tpu.barrier barrier_id(%barrier3A)
    %dma_start3A = arith.constant 0 : i32
    %dma_start3A_2 = arith.constant 0 : i32
    %dma_start3A_3 = tpu.memref_slice %arg6[%dma_start3A, %dma_start3A_2] : memref<80x125xi32, #tpu.memory_space<vmem>> -> memref<1x125xi32, #tpu.memory_space<vmem>>
    %dma_start3A_4 = tpu.memref_squeeze %dma_start3A_3 : memref<1x125xi32, #tpu.memory_space<vmem>> -> memref<125xi32, #tpu.memory_space<vmem>>
    %dma_start3A_5 = arith.constant 0 : i32
    %dma_start3A_6 = arith.constant 0 : i32
    %dma_start3A_7 = tpu.memref_slice %arg2[%dma_start3A_5, %dma_start3A_6] : memref<10000x128xbf16, #tpu.memory_space<hbm>> -> memref<10000x128xbf16, #tpu.memory_space<hbm>>
    tpu.enqueue_indirect_dma source(%dma_start3A_7 : memref<10000x128xbf16, #tpu.memory_space<hbm>>) target(%arg8 : memref<125x128xbf16, #tpu.memory_space<vmem>>) offsets(%dma_start3A_4 : memref<125xi32, #tpu.memory_space<vmem>>) semaphore(%arg13 : memref<!tpu.dma_semaphore, #tpu.memory_space<semaphore_mem>>)
    %dma_start3A_8 = arith.constant 1 : i32
    %dma_start3A_9 = arith.constant 0 : i32
    %dma_start3A_10 = tpu.memref_slice %arg6[%dma_start3A_8, %dma_start3A_9] : memref<80x125xi32, #tpu.memory_space<vmem>> -> memref<1x125xi32, #tpu.memory_space<vmem>>
    %dma_start3A_11 = tpu.memref_squeeze %dma_start3A_10 : memref<1x125xi32, #tpu.memory_space<vmem>> -> memref<125xi32, #tpu.memory_space<vmem>>
    %dma_start3A_12 = arith.constant 0 : i32
    %dma_start3A_13 = arith.constant 0 : i32
    %dma_start3A_14 = tpu.memref_slice %arg2[%dma_start3A_12, %dma_start3A_13] : memref<10000x128xbf16, #tpu.memory_space<hbm>> -> memref<10000x128xbf16, #tpu.memory_space<hbm>>
    tpu.enqueue_indirect_dma source(%dma_start3A_14 : memref<10000x128xbf16, #tpu.memory_space<hbm>>) target(%arg9 : memref<125x128xbf16, #tpu.memory_space<vmem>>) offsets(%dma_start3A_11 : memref<125xi32, #tpu.memory_space<vmem>>) semaphore(%arg14 : memref<!tpu.dma_semaphore, #tpu.memory_space<semaphore_mem>>)
    %scan3A = arith.constant 0 : i32
    %scan3A_15 = arith.constant 0 : i32
    %scan3A_16 = arith.constant 20 : i32
    %scan3A_17 = arith.addi %scan3A_15, %scan3A_16 : i32
    %scan3A_18 = arith.constant 1 : i32
    scf.for %scan3A_48 = %scan3A_15 to %scan3A_17 step %scan3A_18  : i32 {
      %mul3A_49 = arith.constant 4 : i32
      %mul3A_50 = arith.muli %mul3A_49, %scan3A_48 : i32
      %add3A = arith.constant 0 : i32
      %add3A_51 = arith.addi %mul3A_50, %add3A : i32
      %dma_wait3A_52 = arith.constant 0 : i32
      %dma_wait3A_53 = tpu.memref_slice %arg6[%add3A_51, %dma_wait3A_52] : memref<80x125xi32, #tpu.memory_space<vmem>> -> memref<1x125xi32, #tpu.memory_space<vmem>>
      %dma_wait3A_54 = tpu.memref_squeeze %dma_wait3A_53 : memref<1x125xi32, #tpu.memory_space<vmem>> -> memref<125xi32, #tpu.memory_space<vmem>>
      %dma_wait3A_55 = arith.constant 0 : i32
      %dma_wait3A_56 = arith.constant 0 : i32
      %dma_wait3A_57 = tpu.memref_slice %arg2[%dma_wait3A_55, %dma_wait3A_56] : memref<10000x128xbf16, #tpu.memory_space<hbm>> -> memref<10000x128xbf16, #tpu.memory_space<hbm>>
      tpu.wait_indirect_dma semaphore(%arg13 : memref<!tpu.dma_semaphore, #tpu.memory_space<semaphore_mem>>) src(%dma_wait3A_57 : memref<10000x128xbf16, #tpu.memory_space<hbm>>) dst(%arg8 : memref<125x128xbf16, #tpu.memory_space<vmem>>)
      %dma_start3A_58 = arith.constant 0 : i32
      %dma_start3A_59 = tpu.memref_slice %arg7[%add3A_51, %dma_start3A_58] : memref<80x125xi32, #tpu.memory_space<vmem>> -> memref<1x125xi32, #tpu.memory_space<vmem>>
      %dma_start3A_60 = tpu.memref_squeeze %dma_start3A_59 : memref<1x125xi32, #tpu.memory_space<vmem>> -> memref<125xi32, #tpu.memory_space<vmem>>
      %dma_start3A_61 = arith.constant 0 : i32
      %dma_start3A_62 = arith.constant 0 : i32
      %dma_start3A_63 = tpu.memref_slice %arg12[%dma_start3A_61, %dma_start3A_62] : memref<10112x128xbf16, #tpu.memory_space<vmem_shared>> -> memref<10112x128xbf16, #tpu.memory_space<vmem_shared>>
      tpu.enqueue_indirect_dma source(%arg8 : memref<125x128xbf16, #tpu.memory_space<vmem>>) target(%dma_start3A_63 : memref<10112x128xbf16, #tpu.memory_space<vmem_shared>>) offsets(%dma_start3A_60 : memref<125xi32, #tpu.memory_space<vmem>>) semaphore(%arg17 : memref<!tpu.dma_semaphore, #tpu.memory_space<semaphore_mem>>) {add = true}
      %add3A_64 = arith.constant 2 : i32
      %add3A_65 = arith.addi %add3A_51, %add3A_64 : i32
      %lt3A = arith.constant 80 : i32
      %lt3A_66 = arith.cmpi slt, %add3A_65, %lt3A : i32
      %convert_element_type3A = arith.extui %lt3A_66 : i1 to i32
      %cond3A = arith.constant 0 : i32
      %cond3A_67 = arith.cmpi ne, %convert_element_type3A, %cond3A : i32
      scf.if %cond3A_67 {
        %ge3A = arith.constant 2 : i32
        %ge3A_137 = arith.cmpi sge, %add3A_51, %ge3A : i32
        %convert_element_type3A_138 = arith.extui %ge3A_137 : i1 to i32
        %cond3A_139 = arith.constant 0 : i32
        %cond3A_140 = arith.cmpi ne, %convert_element_type3A_138, %cond3A_139 : i32
        scf.if %cond3A_140 {
          %sub3A = arith.constant 2 : i32
          %sub3A_147 = arith.subi %add3A_51, %sub3A : i32
          %dma_wait3A_148 = arith.constant 0 : i32
          %dma_wait3A_149 = tpu.memref_slice %arg7[%sub3A_147, %dma_wait3A_148] : memref<80x125xi32, #tpu.memory_space<vmem>> -> memref<1x125xi32, #tpu.memory_space<vmem>>
          %dma_wait3A_150 = tpu.memref_squeeze %dma_wait3A_149 : memref<1x125xi32, #tpu.memory_space<vmem>> -> memref<125xi32, #tpu.memory_space<vmem>>
          %dma_wait3A_151 = arith.constant 0 : i32
          %dma_wait3A_152 = arith.constant 0 : i32
          %dma_wait3A_153 = tpu.memref_slice %arg12[%dma_wait3A_151, %dma_wait3A_152] : memref<10112x128xbf16, #tpu.memory_space<vmem_shared>> -> memref<10112x128xbf16, #tpu.memory_space<vmem_shared>>
          tpu.wait_indirect_dma semaphore(%arg19 : memref<!tpu.dma_semaphore, #tpu.memory_space<semaphore_mem>>) src(%arg10 : memref<125x128xbf16, #tpu.memory_space<vmem>>) dst(%dma_wait3A_153 : memref<10112x128xbf16, #tpu.memory_space<vmem_shared>>)
        } else {
        }
        %dma_start3A_141 = arith.constant 0 : i32
        %dma_start3A_142 = tpu.memref_slice %arg6[%add3A_65, %dma_start3A_141] : memref<80x125xi32, #tpu.memory_space<vmem>> -> memref<1x125xi32, #tpu.memory_space<vmem>>
        %dma_start3A_143 = tpu.memref_squeeze %dma_start3A_142 : memref<1x125xi32, #tpu.memory_space<vmem>> -> memref<125xi32, #tpu.memory_space<vmem>>
        %dma_start3A_144 = arith.constant 0 : i32
        %dma_start3A_145 = arith.constant 0 : i32
        %dma_start3A_146 = tpu.memref_slice %arg2[%dma_start3A_144, %dma_start3A_145] : memref<10000x128xbf16, #tpu.memory_space<hbm>> -> memref<10000x128xbf16, #tpu.memory_space<hbm>>
        tpu.enqueue_indirect_dma source(%dma_start3A_146 : memref<10000x128xbf16, #tpu.memory_space<hbm>>) target(%arg10 : memref<125x128xbf16, #tpu.memory_space<vmem>>) offsets(%dma_start3A_143 : memref<125xi32, #tpu.memory_space<vmem>>) semaphore(%arg15 : memref<!tpu.dma_semaphore, #tpu.memory_space<semaphore_mem>>)
      } else {
      }
      %mul3A_68 = arith.constant 4 : i32
      %mul3A_69 = arith.muli %mul3A_68, %scan3A_48 : i32
      %add3A_70 = arith.constant 1 : i32
      %add3A_71 = arith.addi %mul3A_69, %add3A_70 : i32
      %dma_wait3A_72 = arith.constant 0 : i32
      %dma_wait3A_73 = tpu.memref_slice %arg6[%add3A_71, %dma_wait3A_72] : memref<80x125xi32, #tpu.memory_space<vmem>> -> memref<1x125xi32, #tpu.memory_space<vmem>>
      %dma_wait3A_74 = tpu.memref_squeeze %dma_wait3A_73 : memref<1x125xi32, #tpu.memory_space<vmem>> -> memref<125xi32, #tpu.memory_space<vmem>>
      %dma_wait3A_75 = arith.constant 0 : i32
      %dma_wait3A_76 = arith.constant 0 : i32
      %dma_wait3A_77 = tpu.memref_slice %arg2[%dma_wait3A_75, %dma_wait3A_76] : memref<10000x128xbf16, #tpu.memory_space<hbm>> -> memref<10000x128xbf16, #tpu.memory_space<hbm>>
      tpu.wait_indirect_dma semaphore(%arg14 : memref<!tpu.dma_semaphore, #tpu.memory_space<semaphore_mem>>) src(%dma_wait3A_77 : memref<10000x128xbf16, #tpu.memory_space<hbm>>) dst(%arg9 : memref<125x128xbf16, #tpu.memory_space<vmem>>)
      %dma_start3A_78 = arith.constant 0 : i32
      %dma_start3A_79 = tpu.memref_slice %arg7[%add3A_71, %dma_start3A_78] : memref<80x125xi32, #tpu.memory_space<vmem>> -> memref<1x125xi32, #tpu.memory_space<vmem>>
      %dma_start3A_80 = tpu.memref_squeeze %dma_start3A_79 : memref<1x125xi32, #tpu.memory_space<vmem>> -> memref<125xi32, #tpu.memory_space<vmem>>
      %dma_start3A_81 = arith.constant 0 : i32
      %dma_start3A_82 = arith.constant 0 : i32
      %dma_start3A_83 = tpu.memref_slice %arg12[%dma_start3A_81, %dma_start3A_82] : memref<10112x128xbf16, #tpu.memory_space<vmem_shared>> -> memref<10112x128xbf16, #tpu.memory_space<vmem_shared>>
      tpu.enqueue_indirect_dma source(%arg9 : memref<125x128xbf16, #tpu.memory_space<vmem>>) target(%dma_start3A_83 : memref<10112x128xbf16, #tpu.memory_space<vmem_shared>>) offsets(%dma_start3A_80 : memref<125xi32, #tpu.memory_space<vmem>>) semaphore(%arg18 : memref<!tpu.dma_semaphore, #tpu.memory_space<semaphore_mem>>) {add = true}
      %add3A_84 = arith.constant 2 : i32
      %add3A_85 = arith.addi %add3A_71, %add3A_84 : i32
      %lt3A_86 = arith.constant 80 : i32
      %lt3A_87 = arith.cmpi slt, %add3A_85, %lt3A_86 : i32
      %convert_element_type3A_88 = arith.extui %lt3A_87 : i1 to i32
      %cond3A_89 = arith.constant 0 : i32
      %cond3A_90 = arith.cmpi ne, %convert_element_type3A_88, %cond3A_89 : i32
      scf.if %cond3A_90 {
        %ge3A = arith.constant 2 : i32
        %ge3A_137 = arith.cmpi sge, %add3A_71, %ge3A : i32
        %convert_element_type3A_138 = arith.extui %ge3A_137 : i1 to i32
        %cond3A_139 = arith.constant 0 : i32
        %cond3A_140 = arith.cmpi ne, %convert_element_type3A_138, %cond3A_139 : i32
        scf.if %cond3A_140 {
          %sub3A = arith.constant 2 : i32
          %sub3A_147 = arith.subi %add3A_71, %sub3A : i32
          %dma_wait3A_148 = arith.constant 0 : i32
          %dma_wait3A_149 = tpu.memref_slice %arg7[%sub3A_147, %dma_wait3A_148] : memref<80x125xi32, #tpu.memory_space<vmem>> -> memref<1x125xi32, #tpu.memory_space<vmem>>
          %dma_wait3A_150 = tpu.memref_squeeze %dma_wait3A_149 : memref<1x125xi32, #tpu.memory_space<vmem>> -> memref<125xi32, #tpu.memory_space<vmem>>
          %dma_wait3A_151 = arith.constant 0 : i32
          %dma_wait3A_152 = arith.constant 0 : i32
          %dma_wait3A_153 = tpu.memref_slice %arg12[%dma_wait3A_151, %dma_wait3A_152] : memref<10112x128xbf16, #tpu.memory_space<vmem_shared>> -> memref<10112x128xbf16, #tpu.memory_space<vmem_shared>>
          tpu.wait_indirect_dma semaphore(%arg20 : memref<!tpu.dma_semaphore, #tpu.memory_space<semaphore_mem>>) src(%arg11 : memref<125x128xbf16, #tpu.memory_space<vmem>>) dst(%dma_wait3A_153 : memref<10112x128xbf16, #tpu.memory_space<vmem_shared>>)
        } else {
        }
        %dma_start3A_141 = arith.constant 0 : i32
        %dma_start3A_142 = tpu.memref_slice %arg6[%add3A_85, %dma_start3A_141] : memref<80x125xi32, #tpu.memory_space<vmem>> -> memref<1x125xi32, #tpu.memory_space<vmem>>
        %dma_start3A_143 = tpu.memref_squeeze %dma_start3A_142 : memref<1x125xi32, #tpu.memory_space<vmem>> -> memref<125xi32, #tpu.memory_space<vmem>>
        %dma_start3A_144 = arith.constant 0 : i32
        %dma_start3A_145 = arith.constant 0 : i32
        %dma_start3A_146 = tpu.memref_slice %arg2[%dma_start3A_144, %dma_start3A_145] : memref<10000x128xbf16, #tpu.memory_space<hbm>> -> memref<10000x128xbf16, #tpu.memory_space<hbm>>
        tpu.enqueue_indirect_dma source(%dma_start3A_146 : memref<10000x128xbf16, #tpu.memory_space<hbm>>) target(%arg11 : memref<125x128xbf16, #tpu.memory_space<vmem>>) offsets(%dma_start3A_143 : memref<125xi32, #tpu.memory_space<vmem>>) semaphore(%arg16 : memref<!tpu.dma_semaphore, #tpu.memory_space<semaphore_mem>>)
      } else {
      }
      %mul3A_91 = arith.constant 4 : i32
      %mul3A_92 = arith.muli %mul3A_91, %scan3A_48 : i32
      %add3A_93 = arith.constant 2 : i32
      %add3A_94 = arith.addi %mul3A_92, %add3A_93 : i32
      %dma_wait3A_95 = arith.constant 0 : i32
      %dma_wait3A_96 = tpu.memref_slice %arg6[%add3A_94, %dma_wait3A_95] : memref<80x125xi32, #tpu.memory_space<vmem>> -> memref<1x125xi32, #tpu.memory_space<vmem>>
      %dma_wait3A_97 = tpu.memref_squeeze %dma_wait3A_96 : memref<1x125xi32, #tpu.memory_space<vmem>> -> memref<125xi32, #tpu.memory_space<vmem>>
      %dma_wait3A_98 = arith.constant 0 : i32
      %dma_wait3A_99 = arith.constant 0 : i32
      %dma_wait3A_100 = tpu.memref_slice %arg2[%dma_wait3A_98, %dma_wait3A_99] : memref<10000x128xbf16, #tpu.memory_space<hbm>> -> memref<10000x128xbf16, #tpu.memory_space<hbm>>
      tpu.wait_indirect_dma semaphore(%arg15 : memref<!tpu.dma_semaphore, #tpu.memory_space<semaphore_mem>>) src(%dma_wait3A_100 : memref<10000x128xbf16, #tpu.memory_space<hbm>>) dst(%arg10 : memref<125x128xbf16, #tpu.memory_space<vmem>>)
      %dma_start3A_101 = arith.constant 0 : i32
      %dma_start3A_102 = tpu.memref_slice %arg7[%add3A_94, %dma_start3A_101] : memref<80x125xi32, #tpu.memory_space<vmem>> -> memref<1x125xi32, #tpu.memory_space<vmem>>
      %dma_start3A_103 = tpu.memref_squeeze %dma_start3A_102 : memref<1x125xi32, #tpu.memory_space<vmem>> -> memref<125xi32, #tpu.memory_space<vmem>>
      %dma_start3A_104 = arith.constant 0 : i32
      %dma_start3A_105 = arith.constant 0 : i32
      %dma_start3A_106 = tpu.memref_slice %arg12[%dma_start3A_104, %dma_start3A_105] : memref<10112x128xbf16, #tpu.memory_space<vmem_shared>> -> memref<10112x128xbf16, #tpu.memory_space<vmem_shared>>
      tpu.enqueue_indirect_dma source(%arg10 : memref<125x128xbf16, #tpu.memory_space<vmem>>) target(%dma_start3A_106 : memref<10112x128xbf16, #tpu.memory_space<vmem_shared>>) offsets(%dma_start3A_103 : memref<125xi32, #tpu.memory_space<vmem>>) semaphore(%arg19 : memref<!tpu.dma_semaphore, #tpu.memory_space<semaphore_mem>>) {add = true}
      %add3A_107 = arith.constant 2 : i32
      %add3A_108 = arith.addi %add3A_94, %add3A_107 : i32
      %lt3A_109 = arith.constant 80 : i32
      %lt3A_110 = arith.cmpi slt, %add3A_108, %lt3A_109 : i32
      %convert_element_type3A_111 = arith.extui %lt3A_110 : i1 to i32
      %cond3A_112 = arith.constant 0 : i32
      %cond3A_113 = arith.cmpi ne, %convert_element_type3A_111, %cond3A_112 : i32
      scf.if %cond3A_113 {
        %ge3A = arith.constant 2 : i32
        %ge3A_137 = arith.cmpi sge, %add3A_94, %ge3A : i32
        %convert_element_type3A_138 = arith.extui %ge3A_137 : i1 to i32
        %cond3A_139 = arith.constant 0 : i32
        %cond3A_140 = arith.cmpi ne, %convert_element_type3A_138, %cond3A_139 : i32
        scf.if %cond3A_140 {
          %sub3A = arith.constant 2 : i32
          %sub3A_147 = arith.subi %add3A_94, %sub3A : i32
          %dma_wait3A_148 = arith.constant 0 : i32
          %dma_wait3A_149 = tpu.memref_slice %arg7[%sub3A_147, %dma_wait3A_148] : memref<80x125xi32, #tpu.memory_space<vmem>> -> memref<1x125xi32, #tpu.memory_space<vmem>>
          %dma_wait3A_150 = tpu.memref_squeeze %dma_wait3A_149 : memref<1x125xi32, #tpu.memory_space<vmem>> -> memref<125xi32, #tpu.memory_space<vmem>>
          %dma_wait3A_151 = arith.constant 0 : i32
          %dma_wait3A_152 = arith.constant 0 : i32
          %dma_wait3A_153 = tpu.memref_slice %arg12[%dma_wait3A_151, %dma_wait3A_152] : memref<10112x128xbf16, #tpu.memory_space<vmem_shared>> -> memref<10112x128xbf16, #tpu.memory_space<vmem_shared>>
          tpu.wait_indirect_dma semaphore(%arg17 : memref<!tpu.dma_semaphore, #tpu.memory_space<semaphore_mem>>) src(%arg8 : memref<125x128xbf16, #tpu.memory_space<vmem>>) dst(%dma_wait3A_153 : memref<10112x128xbf16, #tpu.memory_space<vmem_shared>>)
        } else {
        }
        %dma_start3A_141 = arith.constant 0 : i32
        %dma_start3A_142 = tpu.memref_slice %arg6[%add3A_108, %dma_start3A_141] : memref<80x125xi32, #tpu.memory_space<vmem>> -> memref<1x125xi32, #tpu.memory_space<vmem>>
        %dma_start3A_143 = tpu.memref_squeeze %dma_start3A_142 : memref<1x125xi32, #tpu.memory_space<vmem>> -> memref<125xi32, #tpu.memory_space<vmem>>
        %dma_start3A_144 = arith.constant 0 : i32
        %dma_start3A_145 = arith.constant 0 : i32
        %dma_start3A_146 = tpu.memref_slice %arg2[%dma_start3A_144, %dma_start3A_145] : memref<10000x128xbf16, #tpu.memory_space<hbm>> -> memref<10000x128xbf16, #tpu.memory_space<hbm>>
        tpu.enqueue_indirect_dma source(%dma_start3A_146 : memref<10000x128xbf16, #tpu.memory_space<hbm>>) target(%arg8 : memref<125x128xbf16, #tpu.memory_space<vmem>>) offsets(%dma_start3A_143 : memref<125xi32, #tpu.memory_space<vmem>>) semaphore(%arg13 : memref<!tpu.dma_semaphore, #tpu.memory_space<semaphore_mem>>)
      } else {
      }
      %mul3A_114 = arith.constant 4 : i32
      %mul3A_115 = arith.muli %mul3A_114, %scan3A_48 : i32
      %add3A_116 = arith.constant 3 : i32
      %add3A_117 = arith.addi %mul3A_115, %add3A_116 : i32
      %dma_wait3A_118 = arith.constant 0 : i32
      %dma_wait3A_119 = tpu.memref_slice %arg6[%add3A_117, %dma_wait3A_118] : memref<80x125xi32, #tpu.memory_space<vmem>> -> memref<1x125xi32, #tpu.memory_space<vmem>>
      %dma_wait3A_120 = tpu.memref_squeeze %dma_wait3A_119 : memref<1x125xi32, #tpu.memory_space<vmem>> -> memref<125xi32, #tpu.memory_space<vmem>>
      %dma_wait3A_121 = arith.constant 0 : i32
      %dma_wait3A_122 = arith.constant 0 : i32
      %dma_wait3A_123 = tpu.memref_slice %arg2[%dma_wait3A_121, %dma_wait3A_122] : memref<10000x128xbf16, #tpu.memory_space<hbm>> -> memref<10000x128xbf16, #tpu.memory_space<hbm>>
      tpu.wait_indirect_dma semaphore(%arg16 : memref<!tpu.dma_semaphore, #tpu.memory_space<semaphore_mem>>) src(%dma_wait3A_123 : memref<10000x128xbf16, #tpu.memory_space<hbm>>) dst(%arg11 : memref<125x128xbf16, #tpu.memory_space<vmem>>)
      %dma_start3A_124 = arith.constant 0 : i32
      %dma_start3A_125 = tpu.memref_slice %arg7[%add3A_117, %dma_start3A_124] : memref<80x125xi32, #tpu.memory_space<vmem>> -> memref<1x125xi32, #tpu.memory_space<vmem>>
      %dma_start3A_126 = tpu.memref_squeeze %dma_start3A_125 : memref<1x125xi32, #tpu.memory_space<vmem>> -> memref<125xi32, #tpu.memory_space<vmem>>
      %dma_start3A_127 = arith.constant 0 : i32
      %dma_start3A_128 = arith.constant 0 : i32
      %dma_start3A_129 = tpu.memref_slice %arg12[%dma_start3A_127, %dma_start3A_128] : memref<10112x128xbf16, #tpu.memory_space<vmem_shared>> -> memref<10112x128xbf16, #tpu.memory_space<vmem_shared>>
      tpu.enqueue_indirect_dma source(%arg11 : memref<125x128xbf16, #tpu.memory_space<vmem>>) target(%dma_start3A_129 : memref<10112x128xbf16, #tpu.memory_space<vmem_shared>>) offsets(%dma_start3A_126 : memref<125xi32, #tpu.memory_space<vmem>>) semaphore(%arg20 : memref<!tpu.dma_semaphore, #tpu.memory_space<semaphore_mem>>) {add = true}
      %add3A_130 = arith.constant 2 : i32
      %add3A_131 = arith.addi %add3A_117, %add3A_130 : i32
      %lt3A_132 = arith.constant 80 : i32
      %lt3A_133 = arith.cmpi slt, %add3A_131, %lt3A_132 : i32
      %convert_element_type3A_134 = arith.extui %lt3A_133 : i1 to i32
      %cond3A_135 = arith.constant 0 : i32
      %cond3A_136 = arith.cmpi ne, %convert_element_type3A_134, %cond3A_135 : i32
      scf.if %cond3A_136 {
        %ge3A = arith.constant 2 : i32
        %ge3A_137 = arith.cmpi sge, %add3A_117, %ge3A : i32
        %convert_element_type3A_138 = arith.extui %ge3A_137 : i1 to i32
        %cond3A_139 = arith.constant 0 : i32
        %cond3A_140 = arith.cmpi ne, %convert_element_type3A_138, %cond3A_139 : i32
        scf.if %cond3A_140 {
          %sub3A = arith.constant 2 : i32
          %sub3A_147 = arith.subi %add3A_117, %sub3A : i32
          %dma_wait3A_148 = arith.constant 0 : i32
          %dma_wait3A_149 = tpu.memref_slice %arg7[%sub3A_147, %dma_wait3A_148] : memref<80x125xi32, #tpu.memory_space<vmem>> -> memref<1x125xi32, #tpu.memory_space<vmem>>
          %dma_wait3A_150 = tpu.memref_squeeze %dma_wait3A_149 : memref<1x125xi32, #tpu.memory_space<vmem>> -> memref<125xi32, #tpu.memory_space<vmem>>
          %dma_wait3A_151 = arith.constant 0 : i32
          %dma_wait3A_152 = arith.constant 0 : i32
          %dma_wait3A_153 = tpu.memref_slice %arg12[%dma_wait3A_151, %dma_wait3A_152] : memref<10112x128xbf16, #tpu.memory_space<vmem_shared>> -> memref<10112x128xbf16, #tpu.memory_space<vmem_shared>>
          tpu.wait_indirect_dma semaphore(%arg18 : memref<!tpu.dma_semaphore, #tpu.memory_space<semaphore_mem>>) src(%arg9 : memref<125x128xbf16, #tpu.memory_space<vmem>>) dst(%dma_wait3A_153 : memref<10112x128xbf16, #tpu.memory_space<vmem_shared>>)
        } else {
        }
        %dma_start3A_141 = arith.constant 0 : i32
        %dma_start3A_142 = tpu.memref_slice %arg6[%add3A_131, %dma_start3A_141] : memref<80x125xi32, #tpu.memory_space<vmem>> -> memref<1x125xi32, #tpu.memory_space<vmem>>
        %dma_start3A_143 = tpu.memref_squeeze %dma_start3A_142 : memref<1x125xi32, #tpu.memory_space<vmem>> -> memref<125xi32, #tpu.memory_space<vmem>>
        %dma_start3A_144 = arith.constant 0 : i32
        %dma_start3A_145 = arith.constant 0 : i32
        %dma_start3A_146 = tpu.memref_slice %arg2[%dma_start3A_144, %dma_start3A_145] : memref<10000x128xbf16, #tpu.memory_space<hbm>> -> memref<10000x128xbf16, #tpu.memory_space<hbm>>
        tpu.enqueue_indirect_dma source(%dma_start3A_146 : memref<10000x128xbf16, #tpu.memory_space<hbm>>) target(%arg9 : memref<125x128xbf16, #tpu.memory_space<vmem>>) offsets(%dma_start3A_143 : memref<125xi32, #tpu.memory_space<vmem>>) semaphore(%arg14 : memref<!tpu.dma_semaphore, #tpu.memory_space<semaphore_mem>>)
      } else {
      }
    }
    %scan3A_19 = arith.constant 20 : i32
    %dma_wait3A = arith.constant 76 : i32
    %dma_wait3A_20 = arith.constant 0 : i32
    %dma_wait3A_21 = tpu.memref_slice %arg7[%dma_wait3A, %dma_wait3A_20] : memref<80x125xi32, #tpu.memory_space<vmem>> -> memref<1x125xi32, #tpu.memory_space<vmem>>
    %dma_wait3A_22 = tpu.memref_squeeze %dma_wait3A_21 : memref<1x125xi32, #tpu.memory_space<vmem>> -> memref<125xi32, #tpu.memory_space<vmem>>
    %dma_wait3A_23 = arith.constant 0 : i32
    %dma_wait3A_24 = arith.constant 0 : i32
    %dma_wait3A_25 = tpu.memref_slice %arg12[%dma_wait3A_23, %dma_wait3A_24] : memref<10112x128xbf16, #tpu.memory_space<vmem_shared>> -> memref<10112x128xbf16, #tpu.memory_space<vmem_shared>>
    tpu.wait_indirect_dma semaphore(%arg17 : memref<!tpu.dma_semaphore, #tpu.memory_space<semaphore_mem>>) src(%arg8 : memref<125x128xbf16, #tpu.memory_space<vmem>>) dst(%dma_wait3A_25 : memref<10112x128xbf16, #tpu.memory_space<vmem_shared>>)
    %dma_wait3A_26 = arith.constant 77 : i32
    %dma_wait3A_27 = arith.constant 0 : i32
    %dma_wait3A_28 = tpu.memref_slice %arg7[%dma_wait3A_26, %dma_wait3A_27] : memref<80x125xi32, #tpu.memory_space<vmem>> -> memref<1x125xi32, #tpu.memory_space<vmem>>
    %dma_wait3A_29 = tpu.memref_squeeze %dma_wait3A_28 : memref<1x125xi32, #tpu.memory_space<vmem>> -> memref<125xi32, #tpu.memory_space<vmem>>
    %dma_wait3A_30 = arith.constant 0 : i32
    %dma_wait3A_31 = arith.constant 0 : i32
    %dma_wait3A_32 = tpu.memref_slice %arg12[%dma_wait3A_30, %dma_wait3A_31] : memref<10112x128xbf16, #tpu.memory_space<vmem_shared>> -> memref<10112x128xbf16, #tpu.memory_space<vmem_shared>>
    tpu.wait_indirect_dma semaphore(%arg18 : memref<!tpu.dma_semaphore, #tpu.memory_space<semaphore_mem>>) src(%arg9 : memref<125x128xbf16, #tpu.memory_space<vmem>>) dst(%dma_wait3A_32 : memref<10112x128xbf16, #tpu.memory_space<vmem_shared>>)
    %dma_wait3A_33 = arith.constant 78 : i32
    %dma_wait3A_34 = arith.constant 0 : i32
    %dma_wait3A_35 = tpu.memref_slice %arg7[%dma_wait3A_33, %dma_wait3A_34] : memref<80x125xi32, #tpu.memory_space<vmem>> -> memref<1x125xi32, #tpu.memory_space<vmem>>
    %dma_wait3A_36 = tpu.memref_squeeze %dma_wait3A_35 : memref<1x125xi32, #tpu.memory_space<vmem>> -> memref<125xi32, #tpu.memory_space<vmem>>
    %dma_wait3A_37 = arith.constant 0 : i32
    %dma_wait3A_38 = arith.constant 0 : i32
    %dma_wait3A_39 = tpu.memref_slice %arg12[%dma_wait3A_37, %dma_wait3A_38] : memref<10112x128xbf16, #tpu.memory_space<vmem_shared>> -> memref<10112x128xbf16, #tpu.memory_space<vmem_shared>>
    tpu.wait_indirect_dma semaphore(%arg19 : memref<!tpu.dma_semaphore, #tpu.memory_space<semaphore_mem>>) src(%arg10 : memref<125x128xbf16, #tpu.memory_space<vmem>>) dst(%dma_wait3A_39 : memref<10112x128xbf16, #tpu.memory_space<vmem_shared>>)
    %dma_wait3A_40 = arith.constant 79 : i32
    %dma_wait3A_41 = arith.constant 0 : i32
    %dma_wait3A_42 = tpu.memref_slice %arg7[%dma_wait3A_40, %dma_wait3A_41] : memref<80x125xi32, #tpu.memory_space<vmem>> -> memref<1x125xi32, #tpu.memory_space<vmem>>
    %dma_wait3A_43 = tpu.memref_squeeze %dma_wait3A_42 : memref<1x125xi32, #tpu.memory_space<vmem>> -> memref<125xi32, #tpu.memory_space<vmem>>
    %dma_wait3A_44 = arith.constant 0 : i32
    %dma_wait3A_45 = arith.constant 0 : i32
    %dma_wait3A_46 = tpu.memref_slice %arg12[%dma_wait3A_44, %dma_wait3A_45] : memref<10112x128xbf16, #tpu.memory_space<vmem_shared>> -> memref<10112x128xbf16, #tpu.memory_space<vmem_shared>>
    tpu.wait_indirect_dma semaphore(%arg20 : memref<!tpu.dma_semaphore, #tpu.memory_space<semaphore_mem>>) src(%arg11 : memref<125x128xbf16, #tpu.memory_space<vmem>>) dst(%dma_wait3A_46 : memref<10112x128xbf16, #tpu.memory_space<vmem_shared>>)
    %barrier3A_47 = arith.constant 0 : index
    tpu.barrier barrier_id(%barrier3A_47)
    "tpu.region"() ({
      %run_scoped3A_48 = tpu.sem_alloc : memref<!tpu.dma_semaphore, #tpu.memory_space<semaphore_mem>>
      %dma_start3A_49 = arith.constant 0 : i32
      %dma_start3A_50 = arith.constant 0 : i32
      %dma_start3A_51 = tpu.memref_slice %arg5[%arg0, %dma_start3A_49, %dma_start3A_50] : memref<2x10112x128xbf16, #tpu.memory_space<hbm>> -> memref<1x10112x128xbf16, #tpu.memory_space<hbm>>
      %dma_start3A_52 = tpu.memref_squeeze %dma_start3A_51 : memref<1x10112x128xbf16, #tpu.memory_space<hbm>> -> memref<10112x128xbf16, #tpu.memory_space<hbm>>
      %dma_start3A_53 = arith.constant 0 : i32
      %dma_start3A_54 = tpu.memref_slice %dma_start3A_52[%mul3A_0, %dma_start3A_53] : memref<10112x128xbf16, #tpu.memory_space<hbm>> -> memref<632x128xbf16, #tpu.memory_space<hbm>>
      %dma_start3A_55 = arith.constant 0 : i32
      %dma_start3A_56 = tpu.memref_slice %arg12[%mul3A_0, %dma_start3A_55] : memref<10112x128xbf16, #tpu.memory_space<vmem_shared>> -> memref<632x128xbf16, #tpu.memory_space<vmem_shared>>
      tpu.enqueue_dma source(%dma_start3A_56 : memref<632x128xbf16, #tpu.memory_space<vmem_shared>>) target(%dma_start3A_54 : memref<632x128xbf16, #tpu.memory_space<hbm>>) target_semaphore(%run_scoped3A_48 : memref<!tpu.dma_semaphore, #tpu.memory_space<semaphore_mem>>)
      %dma_wait3A_57 = arith.constant 0 : i32
      %dma_wait3A_58 = arith.constant 0 : i32
      %dma_wait3A_59 = tpu.memref_slice %arg5[%arg0, %dma_wait3A_57, %dma_wait3A_58] : memref<2x10112x128xbf16, #tpu.memory_space<hbm>> -> memref<1x10112x128xbf16, #tpu.memory_space<hbm>>
      %dma_wait3A_60 = tpu.memref_squeeze %dma_wait3A_59 : memref<1x10112x128xbf16, #tpu.memory_space<hbm>> -> memref<10112x128xbf16, #tpu.memory_space<hbm>>
      %dma_wait3A_61 = arith.constant 0 : i32
      %dma_wait3A_62 = tpu.memref_slice %dma_wait3A_60[%mul3A_0, %dma_wait3A_61] : memref<10112x128xbf16, #tpu.memory_space<hbm>> -> memref<632x128xbf16, #tpu.memory_space<hbm>>
      %dma_wait3A_63 = arith.constant 0 : i32
      %dma_wait3A_64 = tpu.memref_slice %arg12[%mul3A_0, %dma_wait3A_63] : memref<10112x128xbf16, #tpu.memory_space<vmem_shared>> -> memref<632x128xbf16, #tpu.memory_space<vmem_shared>>
      tpu.wait_dma2 semaphore(%run_scoped3A_48 : memref<!tpu.dma_semaphore, #tpu.memory_space<semaphore_mem>>) src(%dma_wait3A_64 : memref<632x128xbf16, #tpu.memory_space<vmem_shared>>) dst(%dma_wait3A_62 : memref<632x128xbf16, #tpu.memory_space<hbm>>)
      tpu.yield
    }) : () -> ()
    return
  }
}

module attributes {stable_mosaic.version = 14 : i64} {
  func.func @_tc_pre_body(%arg0: i32, %arg1: memref<2000x128xf32, #tpu.memory_space<vmem>>, %arg2: memref<128x128xf32, #tpu.memory_space<vmem>>, %arg3: memref<2000x128xbf16, #tpu.memory_space<vmem>>) attributes {dimension_semantics = [#tpu.dimension_semantics<arbitrary>], iteration_bounds = array<i64: 5>, scalar_prefetch = 0 : i64, scratch_operands = 0 : i64, tpu.core_type = #tpu.core_type<tc>, window_params = [{transform_indices = @transform_0, window_bounds = array<i64: 2000, 128>}, {pipeline_mode = #tpu.pipeline_mode<synchronous>, transform_indices = @transform_1, window_bounds = array<i64: 128, 128>}, {transform_indices = @transform_2, window_bounds = array<i64: 2000, 128>}]} {
    %get3A = arith.constant 0 : index
    %get3A_0 = arith.constant 0 : index
    %get3A_1 = vector.load %arg1[%get3A, %get3A_0] : memref<2000x128xf32, #tpu.memory_space<vmem>>, vector<2000x128xf32>
    %get3A_2 = arith.constant 0 : index
    %get3A_3 = arith.constant 0 : index
    %get3A_4 = vector.load %arg2[%get3A_2, %get3A_3] : memref<128x128xf32, #tpu.memory_space<vmem>>, vector<128x128xf32>
    %dot_general3A = arith.constant dense<0.000000e+00> : vector<2000x128xf32>
    %dot_general3A_5 = tpu.matmul %get3A_1, %get3A_4, %dot_general3A {dimension_numbers = #tpu.dot_dimension_numbers<[1], [0], [0], [1], [0, 0, 1, 1], [], []>, transpose_lhs_hint = false} : vector<2000x128xf32>, vector<128x128xf32>, vector<2000x128xf32> -> vector<2000x128xf32>
    %convert_element_type3A = arith.truncf %dot_general3A_5 : vector<2000x128xf32> to vector<2000x128xbf16>
    %swap3A = arith.constant 0 : index
    %swap3A_6 = arith.constant 0 : index
    %swap3A_7 = vector.load %arg3[%swap3A, %swap3A_6] : memref<2000x128xbf16, #tpu.memory_space<vmem>>, vector<2000x128xbf16>
    tpu.vector_store %arg3[%swap3A, %swap3A_6], %convert_element_type3A {strides = array<i32>} : memref<2000x128xbf16, #tpu.memory_space<vmem>>, vector<2000x128xbf16>,
    return
  }
  func.func @transform_0(%arg0: i32) -> (i32, i32) {
    %c0_i32 = arith.constant 0 : i32
    %c0_i32_0 = arith.constant 0 : i32
    return %arg0, %c0_i32 : i32, i32
  }
  func.func @transform_1(%arg0: i32) -> (i32, i32) {
    %c0_i32 = arith.constant 0 : i32
    %c0_i32_0 = arith.constant 0 : i32
    %c0_i32_1 = arith.constant 0 : i32
    return %c0_i32, %c0_i32_0 : i32, i32
  }
  func.func @transform_2(%arg0: i32) -> (i32, i32) {
    %c0_i32 = arith.constant 0 : i32
    %c0_i32_0 = arith.constant 0 : i32
    return %arg0, %c0_i32 : i32, i32
  }
}

module attributes {stable_mosaic.version = 14 : i64} {
  func.func @_tc_mid_body(%arg0: i32, %arg1: memref<2x2000x128xbf16, #tpu.memory_space<vmem>>, %arg2: memref<2x2000x16xf32, #tpu.memory_space<vmem>>, %arg3: memref<2000x128xf32, #tpu.memory_space<vmem>>, %arg4: memref<128x128xf32, #tpu.memory_space<vmem>>, %arg5: memref<1x128xf32, #tpu.memory_space<vmem>>, %arg6: memref<128x128xf32, #tpu.memory_space<vmem>>, %arg7: memref<128x128xf32, #tpu.memory_space<vmem>>, %arg8: memref<1x128xf32, #tpu.memory_space<vmem>>, %arg9: memref<2000x128xbf16, #tpu.memory_space<vmem>>, %arg10: memref<2000x128xf32, #tpu.memory_space<vmem>>, %arg11: memref<2000x8xf32, #tpu.memory_space<vmem>>) attributes {dimension_semantics = [#tpu.dimension_semantics<arbitrary>], iteration_bounds = array<i64: 5>, scalar_prefetch = 0 : i64, scratch_operands = 0 : i64, tpu.core_type = #tpu.core_type<tc>, window_params = [{transform_indices = @transform_0, window_bounds = array<i64: 2, 2000, 128>}, {transform_indices = @transform_1, window_bounds = array<i64: 2, 2000, 16>}, {transform_indices = @transform_2, window_bounds = array<i64: 2000, 128>}, {pipeline_mode = #tpu.pipeline_mode<synchronous>, transform_indices = @transform_3, window_bounds = array<i64: 128, 128>}, {pipeline_mode = #tpu.pipeline_mode<synchronous>, transform_indices = @transform_4, window_bounds = array<i64: 1, 128>}, {pipeline_mode = #tpu.pipeline_mode<synchronous>, transform_indices = @transform_5, window_bounds = array<i64: 128, 128>}, {pipeline_mode = #tpu.pipeline_mode<synchronous>, transform_indices = @transform_6, window_bounds = array<i64: 128, 128>}, {pipeline_mode = #tpu.pipeline_mode<synchronous>, transform_indices = @transform_7, window_bounds = array<i64: 1, 128>}, {transform_indices = @transform_8, window_bounds = array<i64: 2000, 128>}, {transform_indices = @transform_9, window_bounds = array<i64: 2000, 128>}, {transform_indices = @transform_10, window_bounds = array<i64: 2000, 8>}]} {
    %get3A = arith.constant 0 : index
    %get3A_0 = arith.constant 0 : index
    %get3A_1 = arith.constant 0 : index
    %get3A_2 = vector.load %arg1[%get3A, %get3A_0, %get3A_1] : memref<2x2000x128xbf16, #tpu.memory_space<vmem>>, vector<2x2000x128xbf16>
    %convert_element_type3A = arith.extf %get3A_2 : vector<2x2000x128xbf16> to vector<2x2000x128xf32>
    %slice3A = vector.extract_strided_slice %convert_element_type3A {offsets = [0, 0, 0], sizes = [1, 2000, 128], strides = [1, 1, 1]} : vector<2x2000x128xf32> to vector<1x2000x128xf32>
    %squeeze3A = vector.shape_cast %slice3A : vector<1x2000x128xf32> to vector<2000x128xf32>
    %slice3A_3 = vector.extract_strided_slice %convert_element_type3A {offsets = [1, 0, 0], sizes = [1, 2000, 128], strides = [1, 1, 1]} : vector<2x2000x128xf32> to vector<1x2000x128xf32>
    %squeeze3A_4 = vector.shape_cast %slice3A_3 : vector<1x2000x128xf32> to vector<2000x128xf32>
    %add3A = arith.addf %squeeze3A, %squeeze3A_4 : vector<2000x128xf32>
    %get3A_5 = arith.constant 0 : index
    %get3A_6 = arith.constant 0 : index
    %get3A_7 = arith.constant 0 : index
    %get3A_8 = vector.load %arg2[%get3A_5, %get3A_6, %get3A_7] : memref<2x2000x16xf32, #tpu.memory_space<vmem>>, vector<2x2000x16xf32>
    %slice3A_9 = vector.extract_strided_slice %get3A_8 {offsets = [0, 0, 0], sizes = [1, 2000, 16], strides = [1, 1, 1]} : vector<2x2000x16xf32> to vector<1x2000x16xf32>
    %squeeze3A_10 = vector.shape_cast %slice3A_9 : vector<1x2000x16xf32> to vector<2000x16xf32>
    %slice3A_11 = vector.extract_strided_slice %get3A_8 {offsets = [1, 0, 0], sizes = [1, 2000, 16], strides = [1, 1, 1]} : vector<2x2000x16xf32> to vector<1x2000x16xf32>
    %squeeze3A_12 = vector.shape_cast %slice3A_11 : vector<1x2000x16xf32> to vector<2000x16xf32>
    %add3A_13 = arith.addf %squeeze3A_10, %squeeze3A_12 : vector<2000x16xf32>
    %slice3A_14 = vector.extract_strided_slice %add3A_13 {offsets = [0, 0], sizes = [2000, 1], strides = [1, 1]} : vector<2000x16xf32> to vector<2000x1xf32>
    %max3A = arith.constant 1.000000e+00 : f32
    %max3A_15 = vector.broadcast %max3A : f32 to vector<2000x1xf32>
    %max3A_16 = arith.maximumf %slice3A_14, %max3A_15 : vector<2000x1xf32>
    %div3A = arith.constant 1.000000e+00 : f32
    %div3A_17 = vector.broadcast %div3A : f32 to vector<2000x1xf32>
    %div3A_18 = arith.divf %div3A_17, %max3A_16 : vector<2000x1xf32>
    %get3A_19 = arith.constant 0 : index
    %get3A_20 = arith.constant 0 : index
    %get3A_21 = vector.load %arg3[%get3A_19, %get3A_20] : memref<2000x128xf32, #tpu.memory_space<vmem>>, vector<2000x128xf32>
    %get3A_22 = arith.constant 0 : index
    %get3A_23 = arith.constant 0 : index
    %get3A_24 = vector.load %arg4[%get3A_22, %get3A_23] : memref<128x128xf32, #tpu.memory_space<vmem>>, vector<128x128xf32>
    %dot_general3A = arith.constant dense<0.000000e+00> : vector<2000x128xf32>
    %dot_general3A_25 = tpu.matmul %get3A_21, %get3A_24, %dot_general3A {dimension_numbers = #tpu.dot_dimension_numbers<[1], [0], [0], [1], [0, 0, 1, 1], [], []>, transpose_lhs_hint = false} : vector<2000x128xf32>, vector<128x128xf32>, vector<2000x128xf32> -> vector<2000x128xf32>
    %get3A_26 = arith.constant 0 : index
    %get3A_27 = arith.constant 0 : index
    %get3A_28 = vector.load %arg5[%get3A_26, %get3A_27] : memref<1x128xf32, #tpu.memory_space<vmem>>, vector<1x128xf32>
    %add3A_29 = vector.broadcast %get3A_28 : vector<1x128xf32> to vector<2000x128xf32>
    %add3A_30 = arith.addf %dot_general3A_25, %add3A_29 : vector<2000x128xf32>
    %mul3A = vector.broadcast %div3A_18 : vector<2000x1xf32> to vector<2000x128xf32>
    %mul3A_31 = arith.mulf %add3A, %mul3A : vector<2000x128xf32>
    %add3A_32 = arith.addf %add3A_30, %mul3A_31 : vector<2000x128xf32>
    %max3A_33 = arith.constant 0.000000e+00 : f32
    %max3A_34 = vector.broadcast %max3A_33 : f32 to vector<2000x128xf32>
    %max3A_35 = arith.maximumf %add3A_32, %max3A_34 : vector<2000x128xf32>
    %get3A_36 = arith.constant 0 : index
    %get3A_37 = arith.constant 0 : index
    %get3A_38 = vector.load %arg6[%get3A_36, %get3A_37] : memref<128x128xf32, #tpu.memory_space<vmem>>, vector<128x128xf32>
    %dot_general3A_39 = arith.constant dense<0.000000e+00> : vector<2000x128xf32>
    %dot_general3A_40 = tpu.matmul %max3A_35, %get3A_38, %dot_general3A_39 {dimension_numbers = #tpu.dot_dimension_numbers<[1], [0], [0], [1], [0, 0, 1, 1], [], []>, transpose_lhs_hint = false} : vector<2000x128xf32>, vector<128x128xf32>, vector<2000x128xf32> -> vector<2000x128xf32>
    %convert_element_type3A_41 = arith.truncf %dot_general3A_40 : vector<2000x128xf32> to vector<2000x128xbf16>
    %swap3A = arith.constant 0 : index
    %swap3A_42 = arith.constant 0 : index
    %swap3A_43 = vector.load %arg9[%swap3A, %swap3A_42] : memref<2000x128xbf16, #tpu.memory_space<vmem>>, vector<2000x128xbf16>
    tpu.vector_store %arg9[%swap3A, %swap3A_42], %convert_element_type3A_41 {strides = array<i32>} : memref<2000x128xbf16, #tpu.memory_space<vmem>>, vector<2000x128xbf16>,
    %get3A_44 = arith.constant 0 : index
    %get3A_45 = arith.constant 0 : index
    %get3A_46 = vector.load %arg7[%get3A_44, %get3A_45] : memref<128x128xf32, #tpu.memory_space<vmem>>, vector<128x128xf32>
    %dot_general3A_47 = arith.constant dense<0.000000e+00> : vector<2000x128xf32>
    %dot_general3A_48 = tpu.matmul %max3A_35, %get3A_46, %dot_general3A_47 {dimension_numbers = #tpu.dot_dimension_numbers<[1], [0], [0], [1], [0, 0, 1, 1], [], []>, transpose_lhs_hint = false} : vector<2000x128xf32>, vector<128x128xf32>, vector<2000x128xf32> -> vector<2000x128xf32>
    %get3A_49 = arith.constant 0 : index
    %get3A_50 = arith.constant 0 : index
    %get3A_51 = vector.load %arg8[%get3A_49, %get3A_50] : memref<1x128xf32, #tpu.memory_space<vmem>>, vector<1x128xf32>
    %add3A_52 = vector.broadcast %get3A_51 : vector<1x128xf32> to vector<2000x128xf32>
    %add3A_53 = arith.addf %dot_general3A_48, %add3A_52 : vector<2000x128xf32>
    %swap3A_54 = arith.constant 0 : index
    %swap3A_55 = arith.constant 0 : index
    %swap3A_56 = vector.load %arg10[%swap3A_54, %swap3A_55] : memref<2000x128xf32, #tpu.memory_space<vmem>>, vector<2000x128xf32>
    tpu.vector_store %arg10[%swap3A_54, %swap3A_55], %add3A_53 {strides = array<i32>} : memref<2000x128xf32, #tpu.memory_space<vmem>>, vector<2000x128xf32>,
    %broadcast_in_dim3A = vector.shape_cast %div3A_18 : vector<2000x1xf32> to vector<2000x1xf32>
    %broadcast_in_dim3A_57 = vector.broadcast %broadcast_in_dim3A : vector<2000x1xf32> to vector<2000x8xf32>
    %swap3A_58 = arith.constant 0 : index
    %swap3A_59 = arith.constant 0 : index
    %swap3A_60 = vector.load %arg11[%swap3A_58, %swap3A_59] : memref<2000x8xf32, #tpu.memory_space<vmem>>, vector<2000x8xf32>
    tpu.vector_store %arg11[%swap3A_58, %swap3A_59], %broadcast_in_dim3A_57 {strides = array<i32>} : memref<2000x8xf32, #tpu.memory_space<vmem>>, vector<2000x8xf32>,
    return
  }
  func.func @transform_0(%arg0: i32) -> (i32, i32, i32) {
    %c0_i32 = arith.constant 0 : i32
    %c0_i32_0 = arith.constant 0 : i32
    %c0_i32_1 = arith.constant 0 : i32
    return %c0_i32, %arg0, %c0_i32_0 : i32, i32, i32
  }
  func.func @transform_1(%arg0: i32) -> (i32, i32, i32) {
    %c0_i32 = arith.constant 0 : i32
    %c0_i32_0 = arith.constant 0 : i32
    %c0_i32_1 = arith.constant 0 : i32
    return %c0_i32, %arg0, %c0_i32_0 : i32, i32, i32
  }
  func.func @transform_2(%arg0: i32) -> (i32, i32) {
    %c0_i32 = arith.constant 0 : i32
    %c0_i32_0 = arith.constant 0 : i32
    return %arg0, %c0_i32 : i32, i32
  }
  func.func @transform_3(%arg0: i32) -> (i32, i32) {
    %c0_i32 = arith.constant 0 : i32
    %c0_i32_0 = arith.constant 0 : i32
    %c0_i32_1 = arith.constant 0 : i32
    return %c0_i32, %c0_i32_0 : i32, i32
  }
  func.func @transform_4(%arg0: i32) -> (i32, i32) {
    %c0_i32 = arith.constant 0 : i32
    %c0_i32_0 = arith.constant 0 : i32
    %c0_i32_1 = arith.constant 0 : i32
    return %c0_i32, %c0_i32_0 : i32, i32
  }
  func.func @transform_5(%arg0: i32) -> (i32, i32) {
    %c0_i32 = arith.constant 0 : i32
    %c0_i32_0 = arith.constant 0 : i32
    %c0_i32_1 = arith.constant 0 : i32
    return %c0_i32, %c0_i32_0 : i32, i32
  }
  func.func @transform_6(%arg0: i32) -> (i32, i32) {
    %c0_i32 = arith.constant 0 : i32
    %c0_i32_0 = arith.constant 0 : i32
    %c0_i32_1 = arith.constant 0 : i32
    return %c0_i32, %c0_i32_0 : i32, i32
  }
  func.func @transform_7(%arg0: i32) -> (i32, i32) {
    %c0_i32 = arith.constant 0 : i32
    %c0_i32_0 = arith.constant 0 : i32
    %c0_i32_1 = arith.constant 0 : i32
    return %c0_i32, %c0_i32_0 : i32, i32
  }
  func.func @transform_8(%arg0: i32) -> (i32, i32) {
    %c0_i32 = arith.constant 0 : i32
    %c0_i32_0 = arith.constant 0 : i32
    return %arg0, %c0_i32 : i32, i32
  }
  func.func @transform_9(%arg0: i32) -> (i32, i32) {
    %c0_i32 = arith.constant 0 : i32
    %c0_i32_0 = arith.constant 0 : i32
    return %arg0, %c0_i32 : i32, i32
  }
  func.func @transform_10(%arg0: i32) -> (i32, i32) {
    %c0_i32 = arith.constant 0 : i32
    %c0_i32_0 = arith.constant 0 : i32
    return %arg0, %c0_i32 : i32, i32
  }
}

module attributes {stable_mosaic.version = 14 : i64} {
  func.func @_tc_out_body(%arg0: i32, %arg1: memref<2x2000x128xbf16, #tpu.memory_space<vmem>>, %arg2: memref<2000x128xf32, #tpu.memory_space<vmem>>, %arg3: memref<2000x8xf32, #tpu.memory_space<vmem>>, %arg4: memref<128x10xf32, #tpu.memory_space<vmem>>, %arg5: memref<1x10xf32, #tpu.memory_space<vmem>>, %arg6: memref<2000x10xf32, #tpu.memory_space<vmem>>) attributes {dimension_semantics = [#tpu.dimension_semantics<arbitrary>], iteration_bounds = array<i64: 5>, scalar_prefetch = 0 : i64, scratch_operands = 0 : i64, tpu.core_type = #tpu.core_type<tc>, window_params = [{transform_indices = @transform_0, window_bounds = array<i64: 2, 2000, 128>}, {transform_indices = @transform_1, window_bounds = array<i64: 2000, 128>}, {transform_indices = @transform_2, window_bounds = array<i64: 2000, 8>}, {pipeline_mode = #tpu.pipeline_mode<synchronous>, transform_indices = @transform_3, window_bounds = array<i64: 128, 10>}, {pipeline_mode = #tpu.pipeline_mode<synchronous>, transform_indices = @transform_4, window_bounds = array<i64: 1, 10>}, {transform_indices = @transform_5, window_bounds = array<i64: 2000, 10>}]} {
    %get3A = arith.constant 0 : index
    %get3A_0 = arith.constant 0 : index
    %get3A_1 = arith.constant 0 : index
    %get3A_2 = vector.load %arg1[%get3A, %get3A_0, %get3A_1] : memref<2x2000x128xbf16, #tpu.memory_space<vmem>>, vector<2x2000x128xbf16>
    %convert_element_type3A = arith.extf %get3A_2 : vector<2x2000x128xbf16> to vector<2x2000x128xf32>
    %slice3A = vector.extract_strided_slice %convert_element_type3A {offsets = [0, 0, 0], sizes = [1, 2000, 128], strides = [1, 1, 1]} : vector<2x2000x128xf32> to vector<1x2000x128xf32>
    %squeeze3A = vector.shape_cast %slice3A : vector<1x2000x128xf32> to vector<2000x128xf32>
    %slice3A_3 = vector.extract_strided_slice %convert_element_type3A {offsets = [1, 0, 0], sizes = [1, 2000, 128], strides = [1, 1, 1]} : vector<2x2000x128xf32> to vector<1x2000x128xf32>
    %squeeze3A_4 = vector.shape_cast %slice3A_3 : vector<1x2000x128xf32> to vector<2000x128xf32>
    %add3A = arith.addf %squeeze3A, %squeeze3A_4 : vector<2000x128xf32>
    %get3A_5 = arith.constant 0 : index
    %get3A_6 = arith.constant 0 : index
    %get3A_7 = vector.load %arg2[%get3A_5, %get3A_6] : memref<2000x128xf32, #tpu.memory_space<vmem>>, vector<2000x128xf32>
    %get3A_8 = arith.constant 0 : index
    %get3A_9 = arith.constant 0 : index
    %get3A_10 = vector.load %arg3[%get3A_8, %get3A_9] : memref<2000x8xf32, #tpu.memory_space<vmem>>, vector<2000x8xf32>
    %slice3A_11 = vector.extract_strided_slice %get3A_10 {offsets = [0, 0], sizes = [2000, 1], strides = [1, 1]} : vector<2000x8xf32> to vector<2000x1xf32>
    %mul3A = vector.broadcast %slice3A_11 : vector<2000x1xf32> to vector<2000x128xf32>
    %mul3A_12 = arith.mulf %add3A, %mul3A : vector<2000x128xf32>
    %add3A_13 = arith.addf %get3A_7, %mul3A_12 : vector<2000x128xf32>
    %max3A = arith.constant 0.000000e+00 : f32
    %max3A_14 = vector.broadcast %max3A : f32 to vector<2000x128xf32>
    %max3A_15 = arith.maximumf %add3A_13, %max3A_14 : vector<2000x128xf32>
    %get3A_16 = arith.constant 0 : index
    %get3A_17 = arith.constant 0 : index
    %get3A_18 = vector.load %arg4[%get3A_16, %get3A_17] : memref<128x10xf32, #tpu.memory_space<vmem>>, vector<128x10xf32>
    %dot_general3A = arith.constant dense<0.000000e+00> : vector<2000x10xf32>
    %dot_general3A_19 = tpu.matmul %max3A_15, %get3A_18, %dot_general3A {dimension_numbers = #tpu.dot_dimension_numbers<[1], [0], [0], [1], [0, 0, 1, 1], [], []>, transpose_lhs_hint = false} : vector<2000x128xf32>, vector<128x10xf32>, vector<2000x10xf32> -> vector<2000x10xf32>
    %get3A_20 = arith.constant 0 : index
    %get3A_21 = arith.constant 0 : index
    %get3A_22 = vector.load %arg5[%get3A_20, %get3A_21] : memref<1x10xf32, #tpu.memory_space<vmem>>, vector<1x10xf32>
    %add3A_23 = vector.broadcast %get3A_22 : vector<1x10xf32> to vector<2000x10xf32>
    %add3A_24 = arith.addf %dot_general3A_19, %add3A_23 : vector<2000x10xf32>
    %jit3A = arith.constant -4.000000e+00 : f32
    %jit3A_25 = arith.constant 4.000000e+00 : f32
    %max3A_26 = vector.broadcast %jit3A : f32 to vector<2000x10xf32>
    %max3A_27 = arith.maximumf %max3A_26, %add3A_24 : vector<2000x10xf32>
    %min3A = vector.broadcast %jit3A_25 : f32 to vector<2000x10xf32>
    %min3A_28 = arith.minimumf %min3A, %max3A_27 : vector<2000x10xf32>
    %swap3A = arith.constant 0 : index
    %swap3A_29 = arith.constant 0 : index
    %swap3A_30 = vector.load %arg6[%swap3A, %swap3A_29] : memref<2000x10xf32, #tpu.memory_space<vmem>>, vector<2000x10xf32>
    tpu.vector_store %arg6[%swap3A, %swap3A_29], %min3A_28 {strides = array<i32>} : memref<2000x10xf32, #tpu.memory_space<vmem>>, vector<2000x10xf32>,
    return
  }
  func.func @transform_0(%arg0: i32) -> (i32, i32, i32) {
    %c0_i32 = arith.constant 0 : i32
    %c0_i32_0 = arith.constant 0 : i32
    %c0_i32_1 = arith.constant 0 : i32
    return %c0_i32, %arg0, %c0_i32_0 : i32, i32, i32
  }
  func.func @transform_1(%arg0: i32) -> (i32, i32) {
    %c0_i32 = arith.constant 0 : i32
    %c0_i32_0 = arith.constant 0 : i32
    return %arg0, %c0_i32 : i32, i32
  }
  func.func @transform_2(%arg0: i32) -> (i32, i32) {
    %c0_i32 = arith.constant 0 : i32
    %c0_i32_0 = arith.constant 0 : i32
    return %arg0, %c0_i32 : i32, i32
  }
  func.func @transform_3(%arg0: i32) -> (i32, i32) {
    %c0_i32 = arith.constant 0 : i32
    %c0_i32_0 = arith.constant 0 : i32
    %c0_i32_1 = arith.constant 0 : i32
    return %c0_i32, %c0_i32_0 : i32, i32
  }
  func.func @transform_4(%arg0: i32) -> (i32, i32) {
    %c0_i32 = arith.constant 0 : i32
    %c0_i32_0 = arith.constant 0 : i32
    %c0_i32_1 = arith.constant 0 : i32
    return %c0_i32, %c0_i32_0 : i32, i32
  }
  func.func @transform_5(%arg0: i32) -> (i32, i32) {
    %c0_i32 = arith.constant 0 : i32
    %c0_i32_0 = arith.constant 0 : i32
    return %arg0, %c0_i32 : i32, i32
  }
}

</mosaic_0001>

<sc_bundles>
// kernel: kernel.10.cloned.1.call-start
scs
__scs_entry_jumppad:
0x0: {  	(pc) =	sbr.rel $0x88, $3  }
0x1: {  	(tag) =	ssettag $0x0;
	lr =	simm.s32 $0x1  }
0x2: {  	[smem:$0x3F96] =	sst lr;
	_ =	strace $0xD0000000  }
0x3: {  	_ = 	snop  }
0x4: {  	_ = 	snop  }
0x5: {  	_ = 	snop  }
0x6: {  	_ = 	snop  }
0x7: {  	_ = 	snop  }
__scs_overlays_trampoline_lowered:
0x8: {  	[smem:$0x3FA5] =	sst s0  }
0x9: {  	[smem:$0x3FA6] =	sst s1  }
0xa: {  	[smem:$0x3FA7] =	sst s2  }
0xb: {  	[smem:$0x3FA8] =	sst s3  }
0xc: {  	[smem:$0x3FA9] =	sst s4  }
0xd: {  	[smem:$0x3FAA] =	sst s5  }
0xe: {  	[smem:$0x3FAB] =	sst s6  }
0xf: {  	[smem:$0x3FAC] =	sst s7  }
0x10: {  	[smem:$0x3FAD] =	sst s8  }
0x11: {  	[smem:$0x3FAE] =	sst s9;
	s0 =	simm.s32 @!p0 $0x0  }
0x12: {  	s1 =	sld [smem:$0x3F94];
	s0 =	simm.s32 @p0 $0x1  }
0x13: {  	[smem:$0x3FAF] =	sst s0;
	s0 =	simm.s32 @!p1 $0x0  }
0x14: {  	s2 =	sld [smem:$0x3F93];
	s0 =	simm.s32 @p1 $0x1  }
0x15: {  	[smem:$0x3FB0] =	sst s0;
	s0 =	simm.s32 @!p2 $0x0  }
0x16: {  	s3 =	sld [smem:$0x3FDB];
	s0 =	simm.s32 @p2 $0x1  }
0x17: {  	s4 =	simm.s32 $0x1BF5;
	[smem:$0x3FB2] =	sst s0  }
0x18: {  	s0 =	sld [smem:$0x3F95];
	_ =	swait.ge [sflag:s4], $0x0  }
0x19: {  	s7 =	sld [smem:$0x3F96]  }
0x1a: {  	s8 =	sadd.s32 $0xFFFFE003, lr  }
0x1b: {  	s9 =	sadd.s32 $0xFFFFFEF7, lr;
	s5 =	simm.s32 $0xFFFFFFFF;
	p2 =	slt.u32 s8, $0xFFFFF086  }
0x1c: {  	p1 =	slt.u32 s9, $0xF7A;
	s5 =	simm.s32 @!p2 $0x0  }
0x1d: {  	s5 =	simm.s32 @p1 $0x1;
	p0 =	seq.s32 s7, s2  }
0x1e: {  	s7 =	smul.u32 @!p0 $0xF7A, s2;
	p2 =	seq.s32 @!p0 s5, $0x0  }
0x1f: {  	s9 =	smul.u32 $0xF7A, s1;
	s8 =	simm.s32 @!p0 $0x1BF5;
	p2 =	por !p2, p0  }
0x20: {  	[sflag:s8] =	ssyncset.s32 @!p0 $0xFFFFF086;
	s6 =	sadd.s32 @!p0 s3, s7;
	s7 =	simm.s32 @!p0 $0x108  }
0x21: {  	s3 =	sadd.s32 s3, s9;
	s6 =	sadd.s32 @!p0 $0x88, s6;
	s7 =	simm.s32 @p2 $0x1082  }
0x22: {  	[simem:s7], [sflag:s8] =	dma.local @!p0 [hbm:s6], $0xF7A  }
0x23: {  	s9 =	sor.u32 $0xD0000000, s2;
	s6 =	simm.s32 $0x108;
	_ =	swait.ge @!p0 [sflag:s8], $0x0  }
0x24: {  	s3 =	sadd.s32 $0x88, s3;
	s6 =	simm.s32 @!p1 $0x1082;
	[sflag:s4] =	ssyncset.s32 $0xFFFFF086  }
0x25: {  	[simem:s6], [sflag:s4] =	dma.local [hbm:s3], $0xF7A  }
0x26: {  	[smem:$0x3F96] =	sst s1;
	(tag) =	ssettag s2;
	_ =	strace s9  }
0x27: {  	s1 =	sld [smem:$0x3FA6]  }
0x28: {  	s2 =	sld [smem:$0x3FA7]  }
0x29: {  	s4 =	sld [smem:$0x3FA9]  }
0x2a: {  	p0 =	seq.s32 s5, $0x0;
	s5 =	sld [smem:$0x3FAA]  }
0x2b: {  	s6 =	sld [smem:$0x3FAB]  }
0x2c: {  	s7 =	sld [smem:$0x3FAC]  }
0x2d: {  	s3 =	simm.s32 $0x108;
	s8 =	sld [smem:$0x3FAD]  }
0x2e: {  	s3 =	simm.s32 @!p0 $0x1082;
	s9 =	sld [smem:$0x3FAE]  }
0x2f: {  	lr =	sadd.s32 s0, s3;
	s0 =	sld [smem:$0x3FA5]  }
0x30: {  	s3 =	sld [smem:$0x3FA8]  }
0x31: {  	[smem:$0x3FB1] =	sst s10  }
0x32: {  	s10 =	sld [smem:$0x3FAF];
	_ =	sdelay $0x3  }
0x33: {  	p0 =	seq.s32 s10, $0x1;
	s10 =	sld [smem:$0x3FB1];
	_ =	sdelay $0x3  }
0x34: {  	[smem:$0x3FB1] =	sst s10  }
0x35: {  	s10 =	sld [smem:$0x3FB0];
	_ =	sdelay $0x3  }
0x36: {  	p1 =	seq.s32 s10, $0x1;
	s10 =	sld [smem:$0x3FB1];
	_ =	sdelay $0x3  }
0x37: {  	[smem:$0x3FB1] =	sst s10  }
0x38: {  	s10 =	sld [smem:$0x3FB2]  }
0x39: {  	_ = 	snop;
	(pc) =	sbr.ind lr, $3  }
0x3a: {  	_ = 	snop  }
0x3b: {  	_ = 	snop  }
0x3c: {  	p2 =	seq.s32 s10, $0x1;
	s10 =	sld [smem:$0x3FB1]  }
0x3d: {  	_ =	shalt  }
0x3e: {  	_ =	shalt  }
0x3f: {  	_ =	shalt  }
0x40: {  	_ =	shalt  }
0x41: {  	_ =	shalt  }
0x42: {  	_ =	shalt  }
0x43: {  	_ =	shalt  }
0x44: {  	_ =	shalt  }
0x45: {  	_ =	shalt  }
0x46: {  	_ =	shalt  }
0x47: {  	_ =	shalt  }
0x48: {  	_ =	shalt  }
0x49: {  	_ =	shalt  }
0x4a: {  	_ =	shalt  }
0x4b: {  	_ =	shalt  }
0x4c: {  	_ =	shalt  }
0x4d: {  	_ =	shalt  }
0x4e: {  	_ =	shalt  }
0x4f: {  	_ =	shalt  }
0x50: {  	_ =	shalt  }
0x51: {  	_ =	shalt  }
0x52: {  	_ =	shalt  }
0x53: {  	_ =	shalt  }
0x54: {  	_ =	shalt  }
0x55: {  	_ =	shalt  }
0x56: {  	_ =	shalt  }
0x57: {  	_ =	shalt  }
0x58: {  	_ =	shalt  }
0x59: {  	_ =	shalt  }
0x5a: {  	_ =	shalt  }
0x5b: {  	_ =	shalt  }
0x5c: {  	_ =	shalt  }
0x5d: {  	_ =	shalt  }
0x5e: {  	_ =	shalt  }
0x5f: {  	_ =	shalt  }
0x60: {  	_ =	shalt  }
0x61: {  	_ =	shalt  }
0x62: {  	_ =	shalt  }
0x63: {  	_ =	shalt  }
0x64: {  	_ =	shalt  }
0x65: {  	_ =	shalt  }
0x66: {  	_ =	shalt  }
0x67: {  	_ =	shalt  }
0x68: {  	_ =	shalt  }
0x69: {  	_ =	shalt  }
0x6a: {  	_ =	shalt  }
0x6b: {  	_ =	shalt  }
0x6c: {  	_ =	shalt  }
0x6d: {  	_ =	shalt  }
0x6e: {  	_ =	shalt  }
0x6f: {  	_ =	shalt  }
0x70: {  	_ =	shalt  }
0x71: {  	_ =	shalt  }
0x72: {  	_ =	shalt  }
0x73: {  	_ =	shalt  }
0x74: {  	_ =	shalt  }
0x75: {  	_ =	shalt  }
0x76: {  	_ =	shalt  }
0x77: {  	_ =	shalt  }
0x78: {  	_ =	shalt  }
0x79: {  	_ =	shalt  }
0x7a: {  	_ =	shalt  }
0x7b: {  	_ =	shalt  }
0x7c: {  	_ =	shalt  }
0x7d: {  	_ =	shalt  }
0x7e: {  	_ =	shalt  }
0x7f: {  	_ =	shalt  }
0x80: {  	_ =	shalt  }
0x81: {  	_ =	shalt  }
0x82: {  	_ =	shalt  }
0x83: {  	_ =	shalt  }
0x84: {  	_ =	shalt  }
0x85: {  	_ =	shalt  }
0x86: {  	_ =	shalt  }
0x87: {  	_ =	shalt  }
.Lfunc_end0:
.L_simem_size_0:
called_computation.1_lowered:
.L_overlay_start_0:
0x88: {  	s2 =	sld [smem:$0x3FD9]  }
0x89: {  	s3 =	sld [smem:$0x3FFE];
	_ =	sdelay $0x1  }
0x8a: {  	s1 =	srdreg.scid  }
0x8b: {  	s0 =	sand.u32 $0x1, s1  }
0x8c: {  	s14 =	sshll.u32 s0, $0xA;
	s2 =	sadd.s32 s3, s2  }
0x8d: {  	s2 =	sadd.s32 s2, s14  }
0x8e: {  	[smem:$0x3FBD] =	sst s2  }
0x8f: {  	_ = 	snop  }
0x90: {  	s2 =	sld [smem:$0x3FD0];
	_ =	sdelay $0x2  }
0x91: {  	s15 =	simm.s32 $0xA;
	s4 =	simm.s32 $0x10  }
0x92: {  	[smem:s4], [sflag:s15] =	dma.local [hbm:s2], $0x1  }
0x93: {  	_ =	swait.eq [sflag:s15], $0x1  }
0x94: {  	[sflag:s15] =	ssyncset.done $0x0  }
0x95: {  	[sflag:s15] =	ssyncadd.s32 $0xFFFFFFFF  }
0x96: {  	s16 =	sld [smem:$0x10];
	(tm) =	ssettm $0x1  }
0x97: {  	s17 =	sld [smem:$0x3FFB];
	_ =	sdelay $0x3  }
0x98: {  	_ =	strace s17  }
0x99: {  	s3 =	sld [smem:$0x3FFC];
	_ =	sdelay $0x3  }
0x9a: {  	_ =	strace s3  }
0x9b: {  	s3 =	sld [smem:$0x3FFD];
	_ =	sdelay $0x3  }
0x9c: {  	_ =	strace s3  }
0x9d: {  	_ =	strace $0x8FFFFFFF  }
0x9e: {  	s18 =	sld [smem:$0x3FDB];
	_ =	sdelay $0x1  }
0x9f: {  	s19 =	simm.s32 $_scs_section_size  }
0xa0: {  	s5 =	simm.s32 $_size__tile_overlayer_lowered;
	s6 =	simm.s32 $_tile_overlayer_lowered  }
0xa1: {  	s22 =	simm.s32 $0x1BFF;
	s21 =	sshll.u32 s6, $0x1;
	s3 =	sadd.s32 s19, s18  }
0xa2: {  	s7 =	simm.s32 $0x0;
	s20 =	sshll.u32 s5, $0x1;
	s5 =	sadd.s32 s21, s3  }
0xa3: {  	[timem:s7], [sflag:s22] =	dma.local [hbm:s5], s20  }
0xa4: {  	_ =	swait.ge [sflag:s22], s20  }
0xa5: {  	s4 =	ssub.s32 $0x0, s20;
	[sflag:s22] =	ssyncset.done $0x0  }
0xa6: {  	[sflag:s22] =	ssyncadd.s32 s4;
	_ =	sdelay $0x1  }
0xa7: {  	s23 =	simm.s32 $0x1B8B  }
0xa8: {  	_ =	swait.ge [sflag:s23], $0x1  }
0xa9: {  	[sflag:s23] =	ssyncset.done $0x0  }
0xaa: {  	s25 =	simm.s32 $0x1B8E;
	s24 =	sld [smem:$0x3FFE];
	[sflag:s23] =	ssyncadd.s32 $0xFFFFFFFF  }
0xab: {  	s26 =	simm.s32 $execute0_lowered;
	[smem:$0x3FD2] =	sst s25  }
0xac: {  	s5 =	sshll.u32 s26, $0x1;
	_ =	strace $0x80000049;
	[dreg:$0x1] =	wrdreg $0xFFFFFFFF  }
0xad: {  	s28 =	simm.s32 $_size_execute0_lowered;
	s3 =	sadd.s32 s3, s5;
	[dreg:$0x0] =	wrdreg $0x0  }
0xae: {  	s5 =	sshll.u32 s28, $0x1;
	[dreg:$0x2] =	wrdreg s3  }
0xaf: {  	[dreg:$0x3] =	wrdreg s5  }
0xb0: {  	[dreg:$0x4] =	wrdreg $0xC0  }
0xb1: {  	_ =	task [dreg:s7], $0x5FFFF  }
0xb2: {  	[dreg:$0x1] =	wrdreg $0xFFFFFFFF  }
0xb3: {  	[dreg:$0x0] =	wrdreg $0x60  }
0xb4: {  	[dreg:$0x2] =	wrdreg s24  }
0xb5: {  	[dreg:$0x3] =	wrdreg s16  }
0xb6: {  	[dreg:$0x4] =	wrdreg $0xCD000  }
0xb7: {  	[dreg:$0x5] =	wrdreg $0x9  }
0xb8: {  	_ =	task.clear_ibuf [dreg:s7], $0x6FFFF;
	_ =	strace $0x90000049  }
0xb9: {  	s29 =	simm.s32 $0x9;
	_ =	strace $0x8000004B  }
0xba: {  	_ =	swait.ge [sflag:s29], $0x1  }
0xbb: {  	[sflag:s29] =	ssyncadd.s32 $0xFFFFFFFF  }
0xbc: {  	_ =	strace $0x9000004B  }
0xbd: {  	_ =	sfence  }
0xbe: {  	s30 =	sld [smem:$0x0];
	_ =	sdelay $0x2  }
0xbf: {  	s31 =	sshll.u32 s1, $0xD;
	s1 =	sshrl.u32 s1, $0x2  }
0xc0: {  	s3 =	sand.u32 $0x4000, s31;
	s1 =	sadd.s32 s1, s30  }
0xc1: {  	s0 =	sor.u32 s3, s0;
	s1 =	sshll.u32 s1, $0x11  }
0xc2: {  	s0 =	sor.u32 s1, s0  }
0xc3: {  	s0 =	sadd.s32 $0x8F2B, s0  }
0xc4: {  	[sflag:s0] =	ssyncadd.remote.s32 $0x1  }
0xc5: {  	_ =	sfence.sel $0xFFFF  }
0xc6: {  	[dreg:$0x0] =	wrdreg $0xFFFFFFFF;
	(pc) =	sbr.abs _section_cstart, $3  }
0xc7: {  	[dreg:$0x1] =	wrdreg $0xFFFFFFFF  }
0xc8: {  	_ =	task.clear_ibuf [dreg:s7], $0x2FFFF;
	_ =	strace $0x9FFFFFFF  }
0xc9: {  	(tm) =	ssettm $0x7FFFFFFF  }
tec
execute0_lowered:
.L_overlay_start_1:
0x0: {  	(tag) =	ssettag $0x1  }
0x1: {  	s0 =	rddreg [dreg:$0x0]  }
0x2: {  	s2 =	rddreg [dreg:$0x2]  }
0x3: {  	s1 =	srdreg.scid;
	s4 =	simm.s32 $0x0;
	s10 =	stileid.u32  }
0x4: {  	s13 =	simm.s32 $0x7D;
	s14 =	simm.s32 $0x5000;
	s16 =	simm.s32 $0x6F40  }
0x5: {  	s17 =	simm.s32 $0x1;
	s19 =	simm.s32 $0x8E80;
	s20 =	simm.s32 $0x2  }
0x6: {  	s23 =	simm.s32 $0xADC0;
	s28 =	simm.s32 $0x5;
	s30 =	simm.s32 $0x4  }
0x7: {  	s31 =	simm.s32 $0x2980;
	s18 =	simm.s32 $0x0;
	s6 =	smul.u32 $0x2800, s10  }
0x8: {  	s1 =	sand.u32 $0x1, s1;
	[smem:$0x7FF] =	sst s4;
	s8 =	smul.u32 $0x13C00, s10  }
0x9: {  	s5 =	sadd.s32 $0x2400, s0;
	s29 =	sshll.u32 s10, $0x6;
	s3 =	smul.u32 $0x28000, s1  }
0xa: {  	s10 =	simm.s32 $0x2800;
	s24 =	smul.u32 $0x13C00, s1;
	s1 =	ssub.s32 $0x2, s1  }
0xb: {  	_ =	strace $0x8000004A;
	s11 =	sor.u32 $0x1C09, s29;
	s25 =	sshrl.u32 s1, $0x1  }
0xc: {  	s9 =	sshrl.u32 s8, $0x1;
	s15 =	sshrl.u32 s8, $0x4;
	s3 =	sadd.s32 s6, s3  }
0xd: {  	s1 =	ssub.s32 s1, s25;
	s26 =	sadd.s32 s9, s2;
	s9 =	simm.s32 $0x9  }
.Ltmp0:
0xe: {  	s25 =	simm.s32 $0x3;
	s3 =	sshrl.u32 s3, $0x3;
	(pc) =	sbr.rel .LBB2_1-.Ltmp0, $4  }
0xf: {  	s8 =	smax.u32 s1, $0x1;
	s12 =	sshrl.u32 s26, $0x3;
	s3 =	sadd.s32 s3, s0  }
0x10: {  	s1 =	simm.s32 $0x7;
	s0 =	sadd.s32 s24, s0;
	s6 =	sadd.s32 $0x15E00, s3  }
0x11: {  	s7 =	sadd.s32 $0x1FE00, s3;
	s0 =	sadd.s32 $0x29E00, s0;
	s3 =	simm.s32 $0x280  }
0x12: {  	s24 =	sadd.s32 s15, s0;
	s0 =	simm.s32 $0x6;
	s15 =	simm.s32 $0x8  }
.LBB2_4:
0x13: {  	_ =	swait.ge [sflag:s30], $0x1F40  }
0x14: {  	[sflag:s30] =	ssyncset.done $0x0  }
0x15: {  	[sflag:s30] =	ssyncadd.s32 $0xFFFFE0C0  }
0x16: {  	[spmem:s2] =	stream.indirect.scatter.add.bf16 [tilespmem:s23], [sflag:$0x8], $0x40, s26, s13, $0xb8;
	[tilespmem:$0x16B00] =	vst v63  }
0x17: {  	_ =	swait.ge [sflag:s28], $0x1F40  }
0x18: {  	[sflag:s28] =	ssyncset.done $0x0  }
0x19: {  	[sflag:s28] =	ssyncadd.s32 $0xFFFFE0C0  }
0x1a: {  	_ =	swait.ge [sflag:s0], $0x1F40  }
0x1b: {  	[sflag:s0] =	ssyncset.done $0x0  }
0x1c: {  	[sflag:s0] =	ssyncadd.s32 $0xFFFFE0C0  }
0x1d: {  	_ =	swait.ge [sflag:s1], $0x1F40  }
0x1e: {  	[sflag:s1] =	ssyncset.done $0x0  }
0x1f: {  	[sflag:s1] =	ssyncadd.s32 $0xFFFFE0C0  }
0x20: {  	_ =	swait.ge [sflag:s15], $0x1F40  }
0x21: {  	s18 =	sadd.s32 $0x1, s18;
	[sflag:s15] =	ssyncset.done $0x0  }
0x22: {  	p0 =	sne.s32 s18, s8;
	[sflag:s15] =	ssyncadd.s32 $0xFFFFE0C0  }
.Ltmp1:
0x23: {  	[bflag:$0x0] =	sbarrier.arrive $0xFFFF;
	(pc) =	sbr.rel @!p0 .LBB2_5-.Ltmp1, $4  }
0x24: {  	[hbm:s24], [sflag:s11] =	dma.local [spmem:s12], $0x13C0  }
0x25: {  	_ =	swait.ge [sflag:s9], $0x13C0  }
0x26: {  	[sflag:s9] =	ssyncset.done $0x0  }
0x27: {  	[sflag:s9] =	ssyncadd.s32 $0xFFFFEC40  }
.LBB2_1:
0x28: {  	[tilespmem:s4], [sflag:$0x9] =	stream.linear.gather [hbm4b:s6+s4], $0x2800, $0x38;
	[tilespmem:$0x16B00] =	vst v63  }
0x29: {  	_ =	swait.ge [sflag:s9], $0x2800  }
0x2a: {  	[sflag:s9] =	ssyncset.done $0x0  }
0x2b: {  	[sflag:s9] =	ssyncadd.s32 $0xFFFFD800  }
0x2c: {  	[tilespmem:s10], [sflag:$0x9] =	stream.linear.gather [hbm4b:s7+s4], $0x2800, $0x38;
	[tilespmem:$0x16B00] =	vst v63  }
0x2d: {  	_ =	swait.ge [sflag:s9], $0x2800  }
0x2e: {  	[sflag:s9] =	ssyncset.done $0x0  }
0x2f: {  	[sflag:s9] =	ssyncadd.s32 $0xFFFFD800  }
0x30: {  	s21 =	rddreg [dreg:$0x1]  }
0x31: {  	[spmem:s12], [sflag:s11] =	dma.local [hbm:s21], $0x13C0  }
0x32: {  	_ =	swait.ge [sflag:s9], $0x13C0  }
0x33: {  	[sflag:s9] =	ssyncset.done $0x0  }
0x34: {  	[sflag:s9] =	ssyncadd.s32 $0xFFFFEC40  }
0x35: {  	[bflag:$0x0] =	sbarrier.arrive $0xFFFF  }
0x36: {  	[tilespmem:s14], [sflag:$0x1] =	stream.indirect.gather [hbm4b:s5+s13], $0x40, s4, s13, $0xb8;
	[tilespmem:$0x16B00] =	vst v63  }
0x37: {  	s22 =	simm.s32 $0x80  }
0x38: {  	[tilespmem:s16], [sflag:$0x2] =	stream.indirect.gather [hbm4b:s5+s13], $0x40, s22, s13, $0xb8;
	[tilespmem:$0x16B00] =	vst v63  }
0x39: {  	_ =	swait.ge [sflag:s17], $0x1F40  }
0x3a: {  	[sflag:s17] =	ssyncset.done $0x0  }
0x3b: {  	[sflag:s17] =	ssyncadd.s32 $0xFFFFE0C0  }
0x3c: {  	[spmem:s2] =	stream.indirect.scatter.add.bf16 [tilespmem:s14], [sflag:$0x5], $0x40, s10, s13, $0xb8;
	[tilespmem:$0x16B00] =	vst v63  }
0x3d: {  	s26 =	simm.s32 $0x100  }
0x3e: {  	[tilespmem:s19], [sflag:$0x3] =	stream.indirect.gather [hbm4b:s5+s13], $0x40, s26, s13, $0xb8;
	[tilespmem:$0x16B00] =	vst v63  }
0x3f: {  	_ =	swait.ge [sflag:s20], $0x1F40  }
0x40: {  	[sflag:s20] =	ssyncset.done $0x0  }
0x41: {  	s29 =	simm.s32 $0x2880;
	[sflag:s20] =	ssyncadd.s32 $0xFFFFE0C0  }
0x42: {  	[spmem:s2] =	stream.indirect.scatter.add.bf16 [tilespmem:s16], [sflag:$0x6], $0x40, s29, s13, $0xb8;
	[tilespmem:$0x16B00] =	vst v63  }
0x43: {  	s22 =	simm.s32 $0x180  }
0x44: {  	[tilespmem:s23], [sflag:$0x4] =	stream.indirect.gather [hbm4b:s5+s13], $0x40, s22, s13, $0xb8;
	[tilespmem:$0x16B00] =	vst v63  }
0x45: {  	_ =	swait.ge [sflag:s25], $0x1F40  }
0x46: {  	[sflag:s25] =	ssyncset.done $0x0  }
0x47: {  	s26 =	simm.s32 $0x2900;
	[sflag:s25] =	ssyncadd.s32 $0xFFFFE0C0  }
0x48: {  	[spmem:s2] =	stream.indirect.scatter.add.bf16 [tilespmem:s19], [sflag:$0x7], $0x40, s26, s13, $0xb8;
	[tilespmem:$0x16B00] =	vst v63  }
0x49: {  	_ =	swait.ge [sflag:s28], $0x1F40  }
0x4a: {  	[sflag:s28] =	ssyncset.done $0x0  }
0x4b: {  	s29 =	simm.s32 $0x200;
	[sflag:s28] =	ssyncadd.s32 $0xFFFFE0C0  }
0x4c: {  	[tilespmem:s14], [sflag:$0x1] =	stream.indirect.gather [hbm4b:s5+s13], $0x40, s29, s13, $0xb8;
	[tilespmem:$0x16B00] =	vst v63  }
0x4d: {  	_ =	swait.ge [sflag:s30], $0x1F40  }
0x4e: {  	[sflag:s30] =	ssyncset.done $0x0  }
0x4f: {  	[sflag:s30] =	ssyncadd.s32 $0xFFFFE0C0  }
0x50: {  	[spmem:s2] =	stream.indirect.scatter.add.bf16 [tilespmem:s23], [sflag:$0x8], $0x40, s31, s13, $0xb8;
	[tilespmem:$0x16B00] =	vst v63  }
0x51: {  	_ =	swait.ge [sflag:s0], $0x1F40  }
0x52: {  	[sflag:s0] =	ssyncset.done $0x0  }
0x53: {  	s21 =	simm.s32 $0x0;
	[sflag:s0] =	ssyncadd.s32 $0xFFFFE0C0  }
0x54: {  	[tilespmem:s16], [sflag:$0x2] =	stream.indirect.gather [hbm4b:s5+s13], $0x40, s3, s13, $0xb8;
	[tilespmem:$0x16B00] =	vst v63  }
.LBB2_2:
0x55: {  	_ =	swait.ge [sflag:s17], $0x1F40  }
0x56: {  	s22 =	sshra.s32 s21, $0x2;
	[sflag:s17] =	ssyncset.done $0x0  }
0x57: {  	s26 =	sadd.s32 $0x2A00, s22;
	[sflag:s17] =	ssyncadd.s32 $0xFFFFE0C0  }
0x58: {  	[spmem:s2] =	stream.indirect.scatter.add.bf16 [tilespmem:s14], [sflag:$0x5], $0x40, s26, s13, $0xb8;
	[tilespmem:$0x16B00] =	vst v63  }
0x59: {  	_ =	swait.ge [sflag:s1], $0x1F40  }
0x5a: {  	[sflag:s1] =	ssyncset.done $0x0  }
0x5b: {  	s29 =	sadd.s32 $0x300, s22;
	[sflag:s1] =	ssyncadd.s32 $0xFFFFE0C0  }
0x5c: {  	[tilespmem:s19], [sflag:$0x3] =	stream.indirect.gather [hbm4b:s5+s13], $0x40, s29, s13, $0xb8;
	[tilespmem:$0x16B00] =	vst v63  }
0x5d: {  	_ =	swait.ge [sflag:s20], $0x1F40  }
0x5e: {  	[sflag:s20] =	ssyncset.done $0x0  }
0x5f: {  	s29 =	sadd.s32 $0x2A80, s22;
	[sflag:s20] =	ssyncadd.s32 $0xFFFFE0C0  }
0x60: {  	[spmem:s2] =	stream.indirect.scatter.add.bf16 [tilespmem:s16], [sflag:$0x6], $0x40, s29, s13, $0xb8;
	[tilespmem:$0x16B00] =	vst v63  }
0x61: {  	_ =	swait.ge [sflag:s15], $0x1F40  }
0x62: {  	[sflag:s15] =	ssyncset.done $0x0  }
0x63: {  	p0 =	seq.s32 s21, $0x9000;
	s29 =	sadd.s32 $0x380, s22;
	[sflag:s15] =	ssyncadd.s32 $0xFFFFE0C0  }
0x64: {  	[tilespmem:s23], [sflag:$0x4] =	stream.indirect.gather [hbm4b:s5+s13], $0x40, s29, s13, $0xb8;
	[tilespmem:$0x16B00] =	vst v63  }
.Ltmp2:
0x65: {  	_ = 	snop;
	(pc) =	sbr.rel @p0 .LBB2_4-.Ltmp2, $4  }
0x66: {  	_ =	swait.ge [sflag:s25], $0x1F40  }
0x67: {  	[sflag:s25] =	ssyncset.done $0x0  }
0x68: {  	s26 =	sadd.s32 $0x2B80, s22;
	s29 =	sadd.s32 $0x2B00, s22;
	[sflag:s25] =	ssyncadd.s32 $0xFFFFE0C0  }
0x69: {  	[spmem:s2] =	stream.indirect.scatter.add.bf16 [tilespmem:s19], [sflag:$0x7], $0x40, s29, s13, $0xb8;
	[tilespmem:$0x16B00] =	vst v63  }
0x6a: {  	_ =	swait.ge [sflag:s28], $0x1F40  }
0x6b: {  	[sflag:s28] =	ssyncset.done $0x0  }
0x6c: {  	s29 =	sadd.s32 $0x400, s22;
	[sflag:s28] =	ssyncadd.s32 $0xFFFFE0C0  }
0x6d: {  	[tilespmem:s14], [sflag:$0x1] =	stream.indirect.gather [hbm4b:s5+s13], $0x40, s29, s13, $0xb8;
	[tilespmem:$0x16B00] =	vst v63  }
0x6e: {  	_ =	swait.ge [sflag:s30], $0x1F40  }
0x6f: {  	[sflag:s30] =	ssyncset.done $0x0  }
0x70: {  	[sflag:s30] =	ssyncadd.s32 $0xFFFFE0C0  }
0x71: {  	[spmem:s2] =	stream.indirect.scatter.add.bf16 [tilespmem:s23], [sflag:$0x8], $0x40, s26, s13, $0xb8;
	[tilespmem:$0x16B00] =	vst v63  }
.Ltmp3:
0x72: {  	_ = 	snop;
	(pc) =	sbr.rel .LBB2_2-.Ltmp3, $4  }
0x73: {  	_ =	swait.ge [sflag:s0], $0x1F40  }
0x74: {  	[sflag:s0] =	ssyncset.done $0x0  }
0x75: {  	s21 =	sadd.s32 $0x800, s21;
	s29 =	sadd.s32 $0x480, s22;
	[sflag:s0] =	ssyncadd.s32 $0xFFFFE0C0  }
0x76: {  	[tilespmem:s16], [sflag:$0x2] =	stream.indirect.gather [hbm4b:s5+s13], $0x40, s29, s13, $0xb8;
	[tilespmem:$0x16B00] =	vst v63  }
.LBB2_5:
0x77: {  	_ =	sfence.sel $0x180000  }
0x78: {  	[bflag:$0x0] =	sbarrier.arrive $0xFFFF  }
0x79: {  	_ =	strace $0x9000004A  }
0x7a: {  	s0 =	stileid.u32;
	[bflag:$0x2] =	sbarrier.arrive $0xFFFF  }
0x7b: {  	p0 =	sne.s32 s0, $0x0;
	s0 =	rddreg [dreg:$0x3]  }
0x7c: {  	s0 =	sadd.s32 @!p0 $0x100000, s0  }
0x7d: {  	[sflag:s0] =	ssyncadd.tile.s32 @!p0 $0x1;
	_ =	shalt  }
.Lfunc_end2:
_tile_overlayer_lowered:
.L_overlay_start_2:
0x7e: {  	(tag) =	ssettag $0x2  }
0x7f: {  	s0 =	rddreg [dreg:$0x0];
	s2 =	stileid.u32  }
0x80: {  	s1 =	rddreg [dreg:$0x1];
	p0 =	sne.s32 s2, $0x0  }
0x81: {  	s3 =	rddreg [dreg:$0x2];
	[bflag:$0x3] =	sbarrier.arrive $0xFFFF;
	s2 =	simm.s32 @!p0 $0x1C09  }
0x82: {  	[timem:s3], [sflag:s2] =	dma.local @!p0 [hbm:s0], s1  }
0x83: {  	s0 =	simm.s32 @!p0 $0x9  }
0x84: {  	_ =	swait.ge @!p0 [sflag:s0], s1  }
0x85: {  	s1 =	ssub.s32 @!p0 $0x0, s1;
	[sflag:s0] =	ssyncset.done @!p0 $0x0  }
0x86: {  	[sflag:s0] =	ssyncadd.s32 @!p0 s1  }
0x87: {  	[bflag:$0x3] =	sbarrier.arrive $0xFFFF  }
0x88: {  	_ =	shalt  }

// kernel: kernel.7.cloned.1.call-start
scs
__scs_entry_jumppad:
0x0: {  	(pc) =	sbr.rel $0x88, $3  }
0x1: {  	(tag) =	ssettag $0x0;
	lr =	simm.s32 $0x1  }
0x2: {  	[smem:$0x3F96] =	sst lr;
	_ =	strace $0xD0000000  }
0x3: {  	_ = 	snop  }
0x4: {  	_ = 	snop  }
0x5: {  	_ = 	snop  }
0x6: {  	_ = 	snop  }
0x7: {  	_ = 	snop  }
__scs_overlays_trampoline_lowered:
0x8: {  	[smem:$0x3FA5] =	sst s0  }
0x9: {  	[smem:$0x3FA6] =	sst s1  }
0xa: {  	[smem:$0x3FA7] =	sst s2  }
0xb: {  	[smem:$0x3FA8] =	sst s3  }
0xc: {  	[smem:$0x3FA9] =	sst s4  }
0xd: {  	[smem:$0x3FAA] =	sst s5  }
0xe: {  	[smem:$0x3FAB] =	sst s6  }
0xf: {  	[smem:$0x3FAC] =	sst s7  }
0x10: {  	[smem:$0x3FAD] =	sst s8  }
0x11: {  	[smem:$0x3FAE] =	sst s9;
	s0 =	simm.s32 @!p0 $0x0  }
0x12: {  	s1 =	sld [smem:$0x3F94];
	s0 =	simm.s32 @p0 $0x1  }
0x13: {  	[smem:$0x3FAF] =	sst s0;
	s0 =	simm.s32 @!p1 $0x0  }
0x14: {  	s2 =	sld [smem:$0x3F93];
	s0 =	simm.s32 @p1 $0x1  }
0x15: {  	[smem:$0x3FB0] =	sst s0;
	s0 =	simm.s32 @!p2 $0x0  }
0x16: {  	s3 =	sld [smem:$0x3FDB];
	s0 =	simm.s32 @p2 $0x1  }
0x17: {  	s4 =	simm.s32 $0x1BF5;
	[smem:$0x3FB2] =	sst s0  }
0x18: {  	s0 =	sld [smem:$0x3F95];
	_ =	swait.ge [sflag:s4], $0x0  }
0x19: {  	s7 =	sld [smem:$0x3F96]  }
0x1a: {  	s8 =	sadd.s32 $0xFFFFE003, lr  }
0x1b: {  	s9 =	sadd.s32 $0xFFFFFEF7, lr;
	s5 =	simm.s32 $0xFFFFFFFF;
	p2 =	slt.u32 s8, $0xFFFFF086  }
0x1c: {  	p1 =	slt.u32 s9, $0xF7A;
	s5 =	simm.s32 @!p2 $0x0  }
0x1d: {  	s5 =	simm.s32 @p1 $0x1;
	p0 =	seq.s32 s7, s2  }
0x1e: {  	s7 =	smul.u32 @!p0 $0xF7A, s2;
	p2 =	seq.s32 @!p0 s5, $0x0  }
0x1f: {  	s9 =	smul.u32 $0xF7A, s1;
	s8 =	simm.s32 @!p0 $0x1BF5;
	p2 =	por !p2, p0  }
0x20: {  	[sflag:s8] =	ssyncset.s32 @!p0 $0xFFFFF086;
	s6 =	sadd.s32 @!p0 s3, s7;
	s7 =	simm.s32 @!p0 $0x108  }
0x21: {  	s3 =	sadd.s32 s3, s9;
	s6 =	sadd.s32 @!p0 $0x88, s6;
	s7 =	simm.s32 @p2 $0x1082  }
0x22: {  	[simem:s7], [sflag:s8] =	dma.local @!p0 [hbm:s6], $0xF7A  }
0x23: {  	s9 =	sor.u32 $0xD0000000, s2;
	s6 =	simm.s32 $0x108;
	_ =	swait.ge @!p0 [sflag:s8], $0x0  }
0x24: {  	s3 =	sadd.s32 $0x88, s3;
	s6 =	simm.s32 @!p1 $0x1082;
	[sflag:s4] =	ssyncset.s32 $0xFFFFF086  }
0x25: {  	[simem:s6], [sflag:s4] =	dma.local [hbm:s3], $0xF7A  }
0x26: {  	[smem:$0x3F96] =	sst s1;
	(tag) =	ssettag s2;
	_ =	strace s9  }
0x27: {  	s1 =	sld [smem:$0x3FA6]  }
0x28: {  	s2 =	sld [smem:$0x3FA7]  }
0x29: {  	s4 =	sld [smem:$0x3FA9]  }
0x2a: {  	p0 =	seq.s32 s5, $0x0;
	s5 =	sld [smem:$0x3FAA]  }
0x2b: {  	s6 =	sld [smem:$0x3FAB]  }
0x2c: {  	s7 =	sld [smem:$0x3FAC]  }
0x2d: {  	s3 =	simm.s32 $0x108;
	s8 =	sld [smem:$0x3FAD]  }
0x2e: {  	s3 =	simm.s32 @!p0 $0x1082;
	s9 =	sld [smem:$0x3FAE]  }
0x2f: {  	lr =	sadd.s32 s0, s3;
	s0 =	sld [smem:$0x3FA5]  }
0x30: {  	s3 =	sld [smem:$0x3FA8]  }
0x31: {  	[smem:$0x3FB1] =	sst s10  }
0x32: {  	s10 =	sld [smem:$0x3FAF];
	_ =	sdelay $0x3  }
0x33: {  	p0 =	seq.s32 s10, $0x1;
	s10 =	sld [smem:$0x3FB1];
	_ =	sdelay $0x3  }
0x34: {  	[smem:$0x3FB1] =	sst s10  }
0x35: {  	s10 =	sld [smem:$0x3FB0];
	_ =	sdelay $0x3  }
0x36: {  	p1 =	seq.s32 s10, $0x1;
	s10 =	sld [smem:$0x3FB1];
	_ =	sdelay $0x3  }
0x37: {  	[smem:$0x3FB1] =	sst s10  }
0x38: {  	s10 =	sld [smem:$0x3FB2]  }
0x39: {  	_ = 	snop;
	(pc) =	sbr.ind lr, $3  }
0x3a: {  	_ = 	snop  }
0x3b: {  	_ = 	snop  }
0x3c: {  	p2 =	seq.s32 s10, $0x1;
	s10 =	sld [smem:$0x3FB1]  }
0x3d: {  	_ =	shalt  }
0x3e: {  	_ =	shalt  }
0x3f: {  	_ =	shalt  }
0x40: {  	_ =	shalt  }
0x41: {  	_ =	shalt  }
0x42: {  	_ =	shalt  }
0x43: {  	_ =	shalt  }
0x44: {  	_ =	shalt  }
0x45: {  	_ =	shalt  }
0x46: {  	_ =	shalt  }
0x47: {  	_ =	shalt  }
0x48: {  	_ =	shalt  }
0x49: {  	_ =	shalt  }
0x4a: {  	_ =	shalt  }
0x4b: {  	_ =	shalt  }
0x4c: {  	_ =	shalt  }
0x4d: {  	_ =	shalt  }
0x4e: {  	_ =	shalt  }
0x4f: {  	_ =	shalt  }
0x50: {  	_ =	shalt  }
0x51: {  	_ =	shalt  }
0x52: {  	_ =	shalt  }
0x53: {  	_ =	shalt  }
0x54: {  	_ =	shalt  }
0x55: {  	_ =	shalt  }
0x56: {  	_ =	shalt  }
0x57: {  	_ =	shalt  }
0x58: {  	_ =	shalt  }
0x59: {  	_ =	shalt  }
0x5a: {  	_ =	shalt  }
0x5b: {  	_ =	shalt  }
0x5c: {  	_ =	shalt  }
0x5d: {  	_ =	shalt  }
0x5e: {  	_ =	shalt  }
0x5f: {  	_ =	shalt  }
0x60: {  	_ =	shalt  }
0x61: {  	_ =	shalt  }
0x62: {  	_ =	shalt  }
0x63: {  	_ =	shalt  }
0x64: {  	_ =	shalt  }
0x65: {  	_ =	shalt  }
0x66: {  	_ =	shalt  }
0x67: {  	_ =	shalt  }
0x68: {  	_ =	shalt  }
0x69: {  	_ =	shalt  }
0x6a: {  	_ =	shalt  }
0x6b: {  	_ =	shalt  }
0x6c: {  	_ =	shalt  }
0x6d: {  	_ =	shalt  }
0x6e: {  	_ =	shalt  }
0x6f: {  	_ =	shalt  }
0x70: {  	_ =	shalt  }
0x71: {  	_ =	shalt  }
0x72: {  	_ =	shalt  }
0x73: {  	_ =	shalt  }
0x74: {  	_ =	shalt  }
0x75: {  	_ =	shalt  }
0x76: {  	_ =	shalt  }
0x77: {  	_ =	shalt  }
0x78: {  	_ =	shalt  }
0x79: {  	_ =	shalt  }
0x7a: {  	_ =	shalt  }
0x7b: {  	_ =	shalt  }
0x7c: {  	_ =	shalt  }
0x7d: {  	_ =	shalt  }
0x7e: {  	_ =	shalt  }
0x7f: {  	_ =	shalt  }
0x80: {  	_ =	shalt  }
0x81: {  	_ =	shalt  }
0x82: {  	_ =	shalt  }
0x83: {  	_ =	shalt  }
0x84: {  	_ =	shalt  }
0x85: {  	_ =	shalt  }
0x86: {  	_ =	shalt  }
0x87: {  	_ =	shalt  }
.Lfunc_end0:
.L_simem_size_0:
called_computation_lowered:
.L_overlay_start_0:
0x88: {  	s2 =	sld [smem:$0x3FD9]  }
0x89: {  	s3 =	sld [smem:$0x3FFE];
	_ =	sdelay $0x1  }
0x8a: {  	s1 =	srdreg.scid  }
0x8b: {  	s0 =	sand.u32 $0x1, s1  }
0x8c: {  	s14 =	sshll.u32 s0, $0xA;
	s2 =	sadd.s32 s3, s2  }
0x8d: {  	s2 =	sadd.s32 s2, s14  }
0x8e: {  	[smem:$0x3FBD] =	sst s2  }
0x8f: {  	_ = 	snop  }
0x90: {  	s2 =	sld [smem:$0x3FD0];
	_ =	sdelay $0x2  }
0x91: {  	s15 =	simm.s32 $0xA;
	s4 =	simm.s32 $0x10  }
0x92: {  	[smem:s4], [sflag:s15] =	dma.local [hbm:s2], $0x1  }
0x93: {  	_ =	swait.eq [sflag:s15], $0x1  }
0x94: {  	[sflag:s15] =	ssyncset.done $0x0  }
0x95: {  	s16 =	sld [smem:$0x10];
	[sflag:s15] =	ssyncadd.s32 $0xFFFFFFFF  }
0x96: {  	s17 =	sld [smem:$0x11];
	(tm) =	ssettm $0x1  }
0x97: {  	s18 =	sld [smem:$0x3FFB];
	_ =	sdelay $0x3  }
0x98: {  	_ =	strace s18  }
0x99: {  	s4 =	sld [smem:$0x3FFC];
	_ =	sdelay $0x3  }
0x9a: {  	_ =	strace s4  }
0x9b: {  	s4 =	sld [smem:$0x3FFD];
	_ =	sdelay $0x3  }
0x9c: {  	_ =	strace s4  }
0x9d: {  	_ =	strace $0x8FFFFFFF  }
0x9e: {  	s19 =	sld [smem:$0x3FDB];
	_ =	sdelay $0x1  }
0x9f: {  	s5 =	simm.s32 $_scs_section_size  }
0xa0: {  	s6 =	simm.s32 $_size__tile_overlayer_lowered;
	s7 =	simm.s32 $_tile_overlayer_lowered  }
0xa1: {  	s22 =	simm.s32 $0x1BFF;
	s21 =	sshll.u32 s7, $0x1;
	s4 =	sadd.s32 s5, s19  }
0xa2: {  	s8 =	simm.s32 $0x0;
	s20 =	sshll.u32 s6, $0x1;
	s6 =	sadd.s32 s21, s4  }
0xa3: {  	[timem:s8], [sflag:s22] =	dma.local [hbm:s6], s20  }
0xa4: {  	_ =	swait.ge [sflag:s22], s20  }
0xa5: {  	s5 =	ssub.s32 $0x0, s20;
	[sflag:s22] =	ssyncset.done $0x0  }
0xa6: {  	[sflag:s22] =	ssyncadd.s32 s5;
	_ =	sdelay $0x1  }
0xa7: {  	s23 =	simm.s32 $0x1B8B  }
0xa8: {  	_ =	swait.ge [sflag:s23], $0x1  }
0xa9: {  	[sflag:s23] =	ssyncset.done $0x0  }
0xaa: {  	s25 =	simm.s32 $0x1B8E;
	s24 =	sld [smem:$0x3FFE];
	[sflag:s23] =	ssyncadd.s32 $0xFFFFFFFF  }
0xab: {  	s26 =	simm.s32 $execute0_lowered;
	[smem:$0x3FD2] =	sst s25  }
0xac: {  	s6 =	sshll.u32 s26, $0x1;
	_ =	strace $0x80000046;
	[dreg:$0x1] =	wrdreg $0xFFFFFFFF  }
0xad: {  	s28 =	simm.s32 $_size_execute0_lowered;
	s4 =	sadd.s32 s4, s6;
	[dreg:$0x0] =	wrdreg $0x0  }
0xae: {  	s6 =	sshll.u32 s28, $0x1;
	[dreg:$0x2] =	wrdreg s4  }
0xaf: {  	[dreg:$0x3] =	wrdreg s6  }
0xb0: {  	[dreg:$0x4] =	wrdreg $0xC0  }
0xb1: {  	_ =	task [dreg:s8], $0x5FFFF  }
0xb2: {  	[dreg:$0x1] =	wrdreg $0xFFFFFFFF  }
0xb3: {  	[dreg:$0x0] =	wrdreg $0x60  }
0xb4: {  	[dreg:$0x2] =	wrdreg s24  }
0xb5: {  	[dreg:$0x3] =	wrdreg s16  }
0xb6: {  	[dreg:$0x4] =	wrdreg s17  }
0xb7: {  	[dreg:$0x5] =	wrdreg $0xFC500  }
0xb8: {  	[dreg:$0x6] =	wrdreg $0xD4D00  }
0xb9: {  	[dreg:$0x7] =	wrdreg $0x9  }
0xba: {  	_ =	task.clear_ibuf [dreg:s8], $0x8FFFF;
	_ =	strace $0x90000046  }
0xbb: {  	s29 =	simm.s32 $0x9;
	_ =	strace $0x80000048  }
0xbc: {  	_ =	swait.ge [sflag:s29], $0x1  }
0xbd: {  	[sflag:s29] =	ssyncadd.s32 $0xFFFFFFFF  }
0xbe: {  	_ =	strace $0x90000048  }
0xbf: {  	_ =	sfence  }
0xc0: {  	s30 =	sld [smem:$0x0];
	_ =	sdelay $0x2  }
0xc1: {  	s31 =	sshll.u32 s1, $0xD;
	s1 =	sshrl.u32 s1, $0x2  }
0xc2: {  	s3 =	sand.u32 $0x4000, s31;
	s1 =	sadd.s32 s1, s30  }
0xc3: {  	s0 =	sor.u32 s3, s0;
	s1 =	sshll.u32 s1, $0x11  }
0xc4: {  	s0 =	sor.u32 s1, s0  }
0xc5: {  	s0 =	sadd.s32 $0x8F2B, s0  }
0xc6: {  	[sflag:s0] =	ssyncadd.remote.s32 $0x1  }
0xc7: {  	_ =	sfence.sel $0xFFFF  }
0xc8: {  	[dreg:$0x0] =	wrdreg $0xFFFFFFFF;
	(pc) =	sbr.abs _section_cstart, $3  }
0xc9: {  	[dreg:$0x1] =	wrdreg $0xFFFFFFFF  }
0xca: {  	_ =	task.clear_ibuf [dreg:s8], $0x2FFFF;
	_ =	strace $0x9FFFFFFF  }
0xcb: {  	(tm) =	ssettm $0x7FFFFFFF  }
tec
execute0_lowered:
.L_overlay_start_1:
0x0: {  	(tag) =	ssettag $0x1  }
0x1: {  	s0 =	rddreg [dreg:$0x0]  }
0x2: {  	s1 =	srdreg.scid;
	s4 =	rddreg [dreg:$0x3]  }
0x3: {  	s10 =	stileid.u32;
	s5 =	rddreg [dreg:$0x4]  }
0x4: {  	s6 =	simm.s32 $0x0;
	s11 =	simm.s32 $0x9;
	s12 =	simm.s32 $0x2800  }
0x5: {  	s16 =	simm.s32 $0x7D;
	s17 =	simm.s32 $0x5000;
	s3 =	smul.u32 $0x2800, s10  }
0x6: {  	s28 =	simm.s32 $0x2880;
	s30 =	simm.s32 $0xADC0;
	s8 =	smul.u32 $0x13C00, s10  }
0x7: {  	s31 =	simm.s32 $0x3;
	s1 =	sand.u32 $0x1, s1;
	s9 =	smul.u32 $0x2780, s10  }
0x8: {  	s29 =	simm.s32 $0x8;
	[smem:$0x7FF] =	sst s6;
	s2 =	smul.u32 $0x28000, s1  }
0x9: {  	s7 =	sadd.s32 $0x2400, s0;
	s25 =	sshll.u32 s10, $0x6;
	s18 =	smul.u32 $0x13C00, s1  }
0xa: {  	s6 =	simm.s32 $0x0;
	_ =	strace $0x80000047;
	s19 =	smul.u32 $0x4F00, s1  }
0xb: {  	s1 =	ssub.s32 $0x2, s1;
	s13 =	sor.u32 $0x1C09, s25;
	s25 =	simm.s32 $0x8E80  }
0xc: {  	s20 =	sshrl.u32 s1, $0x1;
	s22 =	sshrl.u32 s8, $0x1;
	s24 =	sadd.s32 s9, s5  }
0xd: {  	s8 =	sshrl.u32 s8, $0x4;
	s9 =	sshrl.u32 s9, $0x3;
	s2 =	sadd.s32 s3, s2  }
0xe: {  	s3 =	sadd.s32 s18, s0;
	s1 =	ssub.s32 s1, s20;
	s23 =	sadd.s32 s22, s4  }
0xf: {  	s15 =	sshrl.u32 s24, $0x3;
	s20 =	simm.s32 $0x1;
	s18 =	simm.s32 $0x2980  }
0x10: {  	s2 =	sshrl.u32 s2, $0x3;
	s3 =	sadd.s32 $0x29E00, s3;
	s1 =	smax.u32 s1, $0x1  }
0x11: {  	s14 =	sshrl.u32 s23, $0x3;
	s23 =	simm.s32 $0x6;
	s2 =	sadd.s32 s2, s0  }
0x12: {  	s0 =	sadd.s32 s19, s0;
	[dreg:$0x8] =	wrdreg s1;
	s19 =	simm.s32 $0x6F40  }
.Ltmp0:
0x13: {  	s26 =	sadd.s32 s8, s3;
	s3 =	simm.s32 $0x2900;
	(pc) =	sbr.rel .LBB2_1-.Ltmp0, $4  }
0x14: {  	s1 =	simm.s32 $0x5;
	s21 =	sadd.s32 $0x15E00, s2;
	[dreg:$0x9] =	wrdreg s26  }
0x15: {  	s2 =	sadd.s32 $0x1FE00, s2;
	s0 =	sadd.s32 $0x51600, s0;
	[dreg:$0x6] =	wrdreg s21  }
0x16: {  	s26 =	simm.s32 $0x2;
	[dreg:$0x7] =	wrdreg s2;
	s21 =	simm.s32 $0xCD00  }
0x17: {  	v0 =	vimm.f32 $1.000000000e+00;
	s24 =	sadd.s32 s9, s0;
	s2 =	simm.s32 $0x4;
	s0 =	simm.s32 $0x7  }
.LBB2_6:
0x18: {  	_ =	swait.ge [sflag:s2], $0x1F40  }
0x19: {  	[sflag:s2] =	ssyncset.done $0x0  }
0x1a: {  	[sflag:s2] =	ssyncadd.s32 $0xFFFFE0C0  }
0x1b: {  	[spmem:s4] =	stream.indirect.scatter.add.bf16 [tilespmem:s30], [sflag:$0x8], $0x40, s10, s16, $0xb8;
	[tilespmem:$0x19A50] =	vst v63  }
0x1c: {  	_ = 	snop  }
0x1d: {  	[spmem:s5] =	stream.indirect.scatter.add.f32 [tilespmem:s21], [sflag:$0x8], $0x10, s10, s16, $0xb8;
	[tilespmem:$0x19A50] =	vst v63  }
0x1e: {  	_ =	swait.ge [sflag:s1], $0x1F40  }
0x1f: {  	[sflag:s1] =	ssyncset.done $0x0  }
0x20: {  	[sflag:s1] =	ssyncadd.s32 $0xFFFFE0C0  }
0x21: {  	_ =	swait.ge [sflag:s1], $0x7D0  }
0x22: {  	[sflag:s1] =	ssyncset.done $0x0  }
0x23: {  	[sflag:s1] =	ssyncadd.s32 $0xFFFFF830  }
0x24: {  	_ =	swait.ge [sflag:s23], $0x1F40  }
0x25: {  	[sflag:s23] =	ssyncset.done $0x0  }
0x26: {  	[sflag:s23] =	ssyncadd.s32 $0xFFFFE0C0  }
0x27: {  	_ =	swait.ge [sflag:s23], $0x7D0  }
0x28: {  	[sflag:s23] =	ssyncset.done $0x0  }
0x29: {  	[sflag:s23] =	ssyncadd.s32 $0xFFFFF830  }
0x2a: {  	_ =	swait.ge [sflag:s0], $0x1F40  }
0x2b: {  	[sflag:s0] =	ssyncset.done $0x0  }
0x2c: {  	[sflag:s0] =	ssyncadd.s32 $0xFFFFE0C0  }
0x2d: {  	_ =	swait.ge [sflag:s0], $0x7D0  }
0x2e: {  	[sflag:s0] =	ssyncset.done $0x0  }
0x2f: {  	[sflag:s0] =	ssyncadd.s32 $0xFFFFF830  }
0x30: {  	_ =	swait.ge [sflag:s29], $0x1F40  }
0x31: {  	[sflag:s29] =	ssyncset.done $0x0  }
0x32: {  	[sflag:s29] =	ssyncadd.s32 $0xFFFFE0C0  }
0x33: {  	_ =	swait.ge [sflag:s29], $0x7D0  }
0x34: {  	[sflag:s29] =	ssyncset.done $0x0  }
0x35: {  	[sflag:s29] =	ssyncadd.s32 $0xFFFFF830  }
0x36: {  	[bflag:$0x0] =	sbarrier.arrive $0xFFFF  }
0x37: {  	s8 =	rddreg [dreg:$0x9]  }
0x38: {  	[hbm:s8], [sflag:s13] =	dma.local [spmem:s14], $0x13C0  }
0x39: {  	_ =	swait.ge [sflag:s11], $0x13C0  }
0x3a: {  	[sflag:s11] =	ssyncset.done $0x0  }
0x3b: {  	[sflag:s11] =	ssyncadd.s32 $0xFFFFEC40  }
0x3c: {  	[hbm:s24], [sflag:s13] =	dma.local [spmem:s15], $0x4F0  }
0x3d: {  	_ =	swait.ge [sflag:s11], $0x4F0  }
0x3e: {  	s6 =	sadd.s32 $0x1, s6;
	s22 =	rddreg [dreg:$0x8]  }
0x3f: {  	p0 =	sne.s32 s6, s22  }
.Ltmp1:
0x40: {  	_ = 	snop;
	(pc) =	sbr.rel @!p0 .LBB2_7-.Ltmp1, $3  }
0x41: {  	_ =	sdelay $0x1  }
0x42: {  	[sflag:s11] =	ssyncset.done $0x0  }
0x43: {  	[sflag:s11] =	ssyncadd.s32 $0xFFFFFB10  }
.LBB2_1:
0x44: {  	s8 =	simm.s32 $0x0;
	s9 =	rddreg [dreg:$0x6]  }
0x45: {  	[tilespmem:s8], [sflag:$0x9] =	stream.linear.gather [hbm4b:s9+s8], $0x2800, $0x38;
	[tilespmem:$0x19A50] =	vst v63  }
0x46: {  	_ =	swait.ge [sflag:s11], $0x2800  }
0x47: {  	[sflag:s11] =	ssyncset.done $0x0  }
0x48: {  	s22 =	rddreg [dreg:$0x7];
	[sflag:s11] =	ssyncadd.s32 $0xFFFFD800  }
0x49: {  	[tilespmem:s12], [sflag:$0x9] =	stream.linear.gather [hbm4b:s22+s8], $0x2800, $0x38;
	[tilespmem:$0x19A50] =	vst v63  }
0x4a: {  	_ =	swait.ge [sflag:s11], $0x2800  }
0x4b: {  	[sflag:s11] =	ssyncset.done $0x0  }
0x4c: {  	[sflag:s11] =	ssyncadd.s32 $0xFFFFD800  }
0x4d: {  	s10 =	rddreg [dreg:$0x1]  }
0x4e: {  	[spmem:s14], [sflag:s13] =	dma.local [hbm:s10], $0x13C0  }
0x4f: {  	_ =	swait.ge [sflag:s11], $0x13C0  }
0x50: {  	[sflag:s11] =	ssyncset.done $0x0  }
0x51: {  	[sflag:s11] =	ssyncadd.s32 $0xFFFFEC40  }
0x52: {  	s22 =	rddreg [dreg:$0x2]  }
0x53: {  	[spmem:s15], [sflag:s13] =	dma.local [hbm:s22], $0x4F0  }
0x54: {  	_ =	swait.ge [sflag:s11], $0x4F0  }
0x55: {  	[sflag:s11] =	ssyncset.done $0x0  }
0x56: {  	s9 =	simm.s32 $0x0;
	s8 =	simm.s32 $0x40;
	[sflag:s11] =	ssyncadd.s32 $0xFFFFFB10  }
.LBB2_2:
0x57: {  	p0 =	sne.s32 s8, $0x1F00;
	[tilespmem:s9+$0xCD00] =	vst v0;
	s9 =	smov.u32 s8;
	s8 =	sadd.s32 $0x40, s8  }
.Ltmp2:
0x58: {  	(pc) =	sbr.rel @p0 .LBB2_2-.Ltmp2, $2  }
0x59: {  	_ =	sdelay $0x2  }
0x5a: {  	s9 =	sshra.s32 s9, $0x2  }
0x5b: {  	[tilespmem:s9+$0xCD00] =	vst v0  }
0x5c: {  	s8 =	simm.s32 $0x0;
	[bflag:$0x0] =	sbarrier.arrive $0xFFFF  }
0x5d: {  	[tilespmem:s17], [sflag:$0x1] =	stream.indirect.gather [hbm4b:s7+s16], $0x40, s8, s16, $0xb8;
	[tilespmem:$0x19A50] =	vst v63  }
0x5e: {  	s22 =	simm.s32 $0x80  }
0x5f: {  	[tilespmem:s19], [sflag:$0x2] =	stream.indirect.gather [hbm4b:s7+s16], $0x40, s22, s16, $0xb8;
	[tilespmem:$0x19A50] =	vst v63  }
0x60: {  	_ =	swait.ge [sflag:s20], $0x1F40  }
0x61: {  	[sflag:s20] =	ssyncset.done $0x0  }
0x62: {  	[sflag:s20] =	ssyncadd.s32 $0xFFFFE0C0  }
0x63: {  	[spmem:s4] =	stream.indirect.scatter.add.bf16 [tilespmem:s17], [sflag:$0x5], $0x40, s12, s16, $0xb8;
	[tilespmem:$0x19A50] =	vst v63  }
0x64: {  	_ = 	snop  }
0x65: {  	[spmem:s5] =	stream.indirect.scatter.add.f32 [tilespmem:s21], [sflag:$0x5], $0x10, s12, s16, $0xb8;
	[tilespmem:$0x19A50] =	vst v63  }
0x66: {  	s10 =	simm.s32 $0x100  }
0x67: {  	[tilespmem:s25], [sflag:$0x3] =	stream.indirect.gather [hbm4b:s7+s16], $0x40, s10, s16, $0xb8;
	[tilespmem:$0x19A50] =	vst v63  }
0x68: {  	_ =	swait.ge [sflag:s26], $0x1F40  }
0x69: {  	[sflag:s26] =	ssyncset.done $0x0  }
0x6a: {  	[sflag:s26] =	ssyncadd.s32 $0xFFFFE0C0  }
0x6b: {  	[spmem:s4] =	stream.indirect.scatter.add.bf16 [tilespmem:s19], [sflag:$0x6], $0x40, s28, s16, $0xb8;
	[tilespmem:$0x19A50] =	vst v63  }
0x6c: {  	_ = 	snop  }
0x6d: {  	[spmem:s5] =	stream.indirect.scatter.add.f32 [tilespmem:s21], [sflag:$0x6], $0x10, s28, s16, $0xb8;
	[tilespmem:$0x19A50] =	vst v63  }
0x6e: {  	s22 =	simm.s32 $0x180  }
0x6f: {  	[tilespmem:s30], [sflag:$0x4] =	stream.indirect.gather [hbm4b:s7+s16], $0x40, s22, s16, $0xb8;
	[tilespmem:$0x19A50] =	vst v63  }
0x70: {  	_ =	swait.ge [sflag:s31], $0x1F40  }
0x71: {  	[sflag:s31] =	ssyncset.done $0x0  }
0x72: {  	[sflag:s31] =	ssyncadd.s32 $0xFFFFE0C0  }
0x73: {  	[spmem:s4] =	stream.indirect.scatter.add.bf16 [tilespmem:s25], [sflag:$0x7], $0x40, s3, s16, $0xb8;
	[tilespmem:$0x19A50] =	vst v63  }
0x74: {  	_ = 	snop  }
0x75: {  	[spmem:s5] =	stream.indirect.scatter.add.f32 [tilespmem:s21], [sflag:$0x7], $0x10, s3, s16, $0xb8;
	[tilespmem:$0x19A50] =	vst v63  }
0x76: {  	_ =	swait.ge [sflag:s1], $0x1F40  }
0x77: {  	[sflag:s1] =	ssyncset.done $0x0  }
0x78: {  	[sflag:s1] =	ssyncadd.s32 $0xFFFFE0C0  }
0x79: {  	_ =	swait.ge [sflag:s1], $0x7D0  }
0x7a: {  	[sflag:s1] =	ssyncset.done $0x0  }
0x7b: {  	s10 =	simm.s32 $0x200;
	[sflag:s1] =	ssyncadd.s32 $0xFFFFF830  }
0x7c: {  	[tilespmem:s17], [sflag:$0x1] =	stream.indirect.gather [hbm4b:s7+s16], $0x40, s10, s16, $0xb8;
	[tilespmem:$0x19A50] =	vst v63  }
0x7d: {  	_ =	swait.ge [sflag:s2], $0x1F40  }
0x7e: {  	[sflag:s2] =	ssyncset.done $0x0  }
0x7f: {  	[sflag:s2] =	ssyncadd.s32 $0xFFFFE0C0  }
0x80: {  	[spmem:s4] =	stream.indirect.scatter.add.bf16 [tilespmem:s30], [sflag:$0x8], $0x40, s18, s16, $0xb8;
	[tilespmem:$0x19A50] =	vst v63  }
0x81: {  	_ = 	snop  }
0x82: {  	[spmem:s5] =	stream.indirect.scatter.add.f32 [tilespmem:s21], [sflag:$0x8], $0x10, s18, s16, $0xb8;
	[tilespmem:$0x19A50] =	vst v63  }
0x83: {  	_ =	swait.ge [sflag:s23], $0x1F40  }
0x84: {  	[sflag:s23] =	ssyncset.done $0x0  }
0x85: {  	[sflag:s23] =	ssyncadd.s32 $0xFFFFE0C0  }
0x86: {  	_ =	swait.ge [sflag:s23], $0x7D0  }
0x87: {  	[sflag:s23] =	ssyncset.done $0x0  }
0x88: {  	s22 =	simm.s32 $0x280;
	[sflag:s23] =	ssyncadd.s32 $0xFFFFF830  }
0x89: {  	[tilespmem:s19], [sflag:$0x2] =	stream.indirect.gather [hbm4b:s7+s16], $0x40, s22, s16, $0xb8;
	[tilespmem:$0x19A50] =	vst v63  }
.LBB2_4:
0x8a: {  	_ =	swait.ge [sflag:s20], $0x1F40  }
0x8b: {  	s9 =	sshra.s32 s8, $0x2;
	[sflag:s20] =	ssyncset.done $0x0  }
0x8c: {  	s10 =	sadd.s32 $0x2A00, s9;
	[sflag:s20] =	ssyncadd.s32 $0xFFFFE0C0  }
0x8d: {  	[spmem:s4] =	stream.indirect.scatter.add.bf16 [tilespmem:s17], [sflag:$0x5], $0x40, s10, s16, $0xb8;
	[tilespmem:$0x19A50] =	vst v63  }
0x8e: {  	_ = 	snop  }
0x8f: {  	[spmem:s5] =	stream.indirect.scatter.add.f32 [tilespmem:s21], [sflag:$0x5], $0x10, s10, s16, $0xb8;
	[tilespmem:$0x19A50] =	vst v63  }
0x90: {  	_ =	swait.ge [sflag:s0], $0x1F40  }
0x91: {  	[sflag:s0] =	ssyncset.done $0x0  }
0x92: {  	[sflag:s0] =	ssyncadd.s32 $0xFFFFE0C0  }
0x93: {  	_ =	swait.ge [sflag:s0], $0x7D0  }
0x94: {  	[sflag:s0] =	ssyncset.done $0x0  }
0x95: {  	s22 =	sadd.s32 $0x300, s9;
	[sflag:s0] =	ssyncadd.s32 $0xFFFFF830  }
0x96: {  	[tilespmem:s25], [sflag:$0x3] =	stream.indirect.gather [hbm4b:s7+s16], $0x40, s22, s16, $0xb8;
	[tilespmem:$0x19A50] =	vst v63  }
0x97: {  	_ =	swait.ge [sflag:s26], $0x1F40  }
0x98: {  	[sflag:s26] =	ssyncset.done $0x0  }
0x99: {  	s22 =	sadd.s32 $0x2A80, s9;
	[sflag:s26] =	ssyncadd.s32 $0xFFFFE0C0  }
0x9a: {  	[spmem:s4] =	stream.indirect.scatter.add.bf16 [tilespmem:s19], [sflag:$0x6], $0x40, s22, s16, $0xb8;
	[tilespmem:$0x19A50] =	vst v63  }
0x9b: {  	_ = 	snop  }
0x9c: {  	[spmem:s5] =	stream.indirect.scatter.add.f32 [tilespmem:s21], [sflag:$0x6], $0x10, s22, s16, $0xb8;
	[tilespmem:$0x19A50] =	vst v63  }
0x9d: {  	_ =	swait.ge [sflag:s29], $0x1F40  }
0x9e: {  	[sflag:s29] =	ssyncset.done $0x0  }
0x9f: {  	[sflag:s29] =	ssyncadd.s32 $0xFFFFE0C0  }
0xa0: {  	_ =	swait.ge [sflag:s29], $0x7D0  }
0xa1: {  	[sflag:s29] =	ssyncset.done $0x0  }
0xa2: {  	s22 =	sadd.s32 $0x380, s9;
	[sflag:s29] =	ssyncadd.s32 $0xFFFFF830  }
0xa3: {  	[tilespmem:s30], [sflag:$0x4] =	stream.indirect.gather [hbm4b:s7+s16], $0x40, s22, s16, $0xb8;
	[tilespmem:$0x19A50] =	vst v63  }
0xa4: {  	p0 =	seq.s32 s8, $0x9000;
	_ =	swait.ge [sflag:s31], $0x1F40  }
.Ltmp3:
0xa5: {  	[sflag:s31] =	ssyncset.done $0x0;
	(pc) =	sbr.rel @p0 .LBB2_6-.Ltmp3, $4  }
0xa6: {  	s22 =	sadd.s32 $0x2B00, s9;
	[sflag:s31] =	ssyncadd.s32 $0xFFFFE0C0  }
0xa7: {  	[spmem:s4] =	stream.indirect.scatter.add.bf16 [tilespmem:s25], [sflag:$0x7], $0x40, s22, s16, $0xb8;
	[tilespmem:$0x19A50] =	vst v63  }
0xa8: {  	s10 =	sadd.s32 $0x2B80, s9  }
0xa9: {  	[spmem:s5] =	stream.indirect.scatter.add.f32 [tilespmem:s21], [sflag:$0x7], $0x10, s22, s16, $0xb8;
	[tilespmem:$0x19A50] =	vst v63  }
0xaa: {  	_ =	swait.ge [sflag:s1], $0x1F40  }
0xab: {  	[sflag:s1] =	ssyncset.done $0x0  }
0xac: {  	[sflag:s1] =	ssyncadd.s32 $0xFFFFE0C0  }
0xad: {  	_ =	swait.ge [sflag:s1], $0x7D0  }
0xae: {  	[sflag:s1] =	ssyncset.done $0x0  }
0xaf: {  	s22 =	sadd.s32 $0x400, s9;
	[sflag:s1] =	ssyncadd.s32 $0xFFFFF830  }
0xb0: {  	[tilespmem:s17], [sflag:$0x1] =	stream.indirect.gather [hbm4b:s7+s16], $0x40, s22, s16, $0xb8;
	[tilespmem:$0x19A50] =	vst v63  }
0xb1: {  	_ =	swait.ge [sflag:s2], $0x1F40  }
0xb2: {  	[sflag:s2] =	ssyncset.done $0x0  }
0xb3: {  	[sflag:s2] =	ssyncadd.s32 $0xFFFFE0C0  }
0xb4: {  	[spmem:s4] =	stream.indirect.scatter.add.bf16 [tilespmem:s30], [sflag:$0x8], $0x40, s10, s16, $0xb8;
	[tilespmem:$0x19A50] =	vst v63  }
0xb5: {  	_ = 	snop  }
0xb6: {  	[spmem:s5] =	stream.indirect.scatter.add.f32 [tilespmem:s21], [sflag:$0x8], $0x10, s10, s16, $0xb8;
	[tilespmem:$0x19A50] =	vst v63  }
0xb7: {  	_ =	swait.ge [sflag:s23], $0x1F40  }
0xb8: {  	[sflag:s23] =	ssyncset.done $0x0  }
.Ltmp4:
0xb9: {  	[sflag:s23] =	ssyncadd.s32 $0xFFFFE0C0;
	(pc) =	sbr.rel .LBB2_4-.Ltmp4, $4  }
0xba: {  	_ =	swait.ge [sflag:s23], $0x7D0  }
0xbb: {  	[sflag:s23] =	ssyncset.done $0x0  }
0xbc: {  	s8 =	sadd.s32 $0x800, s8;
	s22 =	sadd.s32 $0x480, s9;
	[sflag:s23] =	ssyncadd.s32 $0xFFFFF830  }
0xbd: {  	[tilespmem:s19], [sflag:$0x2] =	stream.indirect.gather [hbm4b:s7+s16], $0x40, s22, s16, $0xb8;
	[tilespmem:$0x19A50] =	vst v63  }
.LBB2_7:
0xbe: {  	_ =	sfence.sel $0x180000  }
0xbf: {  	[bflag:$0x0] =	sbarrier.arrive $0xFFFF  }
0xc0: {  	_ =	strace $0x90000047  }
0xc1: {  	s0 =	stileid.u32;
	[bflag:$0x2] =	sbarrier.arrive $0xFFFF  }
0xc2: {  	p0 =	sne.s32 s0, $0x0;
	s0 =	rddreg [dreg:$0x5]  }
0xc3: {  	s0 =	sadd.s32 @!p0 $0x100000, s0  }
0xc4: {  	[sflag:s0] =	ssyncadd.tile.s32 @!p0 $0x1;
	_ =	shalt  }
.Lfunc_end2:
_tile_overlayer_lowered:
.L_overlay_start_2:
0xc5: {  	(tag) =	ssettag $0x2  }
0xc6: {  	s0 =	rddreg [dreg:$0x0];
	s2 =	stileid.u32  }
0xc7: {  	s1 =	rddreg [dreg:$0x1];
	p0 =	sne.s32 s2, $0x0  }
0xc8: {  	s3 =	rddreg [dreg:$0x2];
	[bflag:$0x3] =	sbarrier.arrive $0xFFFF;
	s2 =	simm.s32 @!p0 $0x1C09  }
0xc9: {  	[timem:s3], [sflag:s2] =	dma.local @!p0 [hbm:s0], s1  }
0xca: {  	s0 =	simm.s32 @!p0 $0x9  }
0xcb: {  	_ =	swait.ge @!p0 [sflag:s0], s1  }
0xcc: {  	s1 =	ssub.s32 @!p0 $0x0, s1;
	[sflag:s0] =	ssyncset.done @!p0 $0x0  }
0xcd: {  	[sflag:s0] =	ssyncadd.s32 @!p0 s1  }
0xce: {  	[bflag:$0x3] =	sbarrier.arrive $0xFFFF  }
0xcf: {  	_ =	shalt  }

</sc_bundles>
